<compile_context>
chip_gen: v7x
topology: tpu7x:2x2x1
jax: 0.10.2.dev20260603
libtpu: 0.0.44.dev20260713+nightly
codegen_flags: <defaults>
</compile_context>

<pallas_src>
import functools
import math

import jax
import jax.numpy as jnp
from jax import lax
from jax.experimental import pallas as pl
from jax.experimental.pallas import tpu as pltpu
from jax.experimental.pallas import tpu_sc as plsc

DIM = 64
SCALE = math.sqrt(DIM)
LANES = 16
NC, NS = 2, 16
NW = NC * NS

XR = 2
SEQ = 200
NBUF = 2
G_SPLITS = ((0, 128), (128, 72))


def _make_kernel(NROWS):
    assert NROWS % (NW * XR * NBUF) == 0
    n_chunks = NROWS // (NW * XR)
    mesh = plsc.VectorSubcoreMesh(core_axis_name="c", subcore_axis_name="s")

    @functools.partial(
        pl.kernel,
        out_type=jax.ShapeDtypeStruct((NROWS, SEQ, DIM), jnp.float32),
        mesh=mesh,
        scratch_types=[
            pltpu.VMEM((NBUF, XR, SEQ), jnp.int32),
            pltpu.VMEM((NBUF, XR, SEQ, DIM), jnp.float32),
            [pltpu.SemaphoreType.DMA] * NBUF,
            [pltpu.SemaphoreType.DMA] * NBUF,
        ],
        compiler_params=pltpu.CompilerParams(
            use_tc_tiling_on_sc=False, skip_device_barrier=True
        ),
    )
    def emb_kernel(x_hbm, w_hbm, out_hbm, idx_v, rows_v, gsem, ssem):
        wid = lax.axis_index("s") * NC + lax.axis_index("c")
        chunk0 = wid * n_chunks

        def fire_gathers(ci, b):
            row = (chunk0 + ci) * XR
            pltpu.sync_copy(x_hbm.at[pl.ds(row, XR)], idx_v.at[b])
            for i in range(XR):
                for off, n in G_SPLITS:
                    pltpu.async_copy(
                        w_hbm.at[idx_v.at[b].at[i, pl.ds(off, n)]],
                        rows_v.at[b].at[i].at[pl.ds(off, n)],
                        gsem[b],
                    )

        def wait_gathers(b):
            for i in range(XR):
                for off, n in G_SPLITS:
                    pltpu.make_async_copy(
                        w_hbm.at[idx_v.at[b].at[i, pl.ds(off, n)]],
                        rows_v.at[b].at[i].at[pl.ds(off, n)],
                        gsem[b],
                    ).wait()

        def fire_store(ci, b):
            row = (chunk0 + ci) * XR
            pltpu.async_copy(rows_v.at[b], out_hbm.at[pl.ds(row, XR)], ssem[b])

        def wait_store(ci, b):
            row = (chunk0 + ci) * XR
            pltpu.make_async_copy(
                rows_v.at[b], out_hbm.at[pl.ds(row, XR)], ssem[b]
            ).wait()

        def scale(b):
            def scale_body(r):
                for i in range(XR):
                    for j in range(DIM // LANES):
                        sl = pl.ds(j * LANES, LANES)
                        rows_v[b, i, r, sl] = rows_v[b, i, r, sl] * SCALE

            plsc.parallel_loop(0, SEQ, 1, unroll=8)(scale_body)

        fire_gathers(0, 0)

        def super_body(s, _):
            for b in range(NBUF):
                ci = s * NBUF + b
                nci = ci + 1
                nb = (b + 1) % NBUF

                @pl.when(jnp.logical_and(nci >= NBUF, nci < n_chunks))
                def _():
                    wait_store(nci - NBUF, nb)

                @pl.when(nci < n_chunks)
                def _():
                    fire_gathers(nci, nb)

                wait_gathers(b)
                scale(b)
                fire_store(ci, b)
            return ()

        lax.fori_loop(0, n_chunks // NBUF, super_body, ())

        for b in range(NBUF):
            wait_store(n_chunks - NBUF + b, b)

    return emb_kernel


@jax.jit
def kernel(x, W):
    return _make_kernel(x.shape[0])(x, W)

# --- scband reference (transcript-rebuilt; emitter-appended) ---
"""Pipeline reference for scband-input-embeddings-22204980920386 (READ-ONLY COPY).

The authoritative reference and input builder live on the scoring server;
editing this copy changes nothing except your own understanding.
"""

import jax, jax.numpy as jnp
import numpy as np
import math

DIM = 64
VOCAB = 1000000

def setup_inputs(seed: int = 0) -> dict:
    key = jax.random.key(seed)
    k1, k2 = jax.random.split(key)
    x = jax.random.randint(k1, (4096, 200), 0, VOCAB, dtype=jnp.int64 if jax.config.jax_enable_x64 else jnp.int32).astype(jnp.int32)
    W = jax.random.normal(k2, (VOCAB, DIM), dtype=jnp.float32)
    return {"x": x, "W": W}

def reference(x, W):
    # nn.Embedding lookup followed by scaling by sqrt(dim)
    emb = jnp.take(W, x, axis=0)
    return emb * math.sqrt(DIM)

if __name__ == "__main__":
    import jax
    _d = setup_inputs()
    print(jax.jit(kernel)(*tuple(_d.values())))

</pallas_src>

<mosaic_0001>
#map = affine_map<(d0, d1) -> (0, 0)>
#map1 = affine_map<(d0, d1) -> (0, 0, 0)>
module attributes {stable_mosaic.version = 14 : i64} {
  func.func @emb_kernel(%arg0: i32, %arg1: i32, %arg2: memref<4096x200xi32, #tpu.memory_space<hbm>>, %arg3: memref<1000000x64xf32, #tpu.memory_space<hbm>>, %arg4: memref<4096x200x64xf32, #tpu.memory_space<hbm>>, %arg5: memref<2x2x200xi32, #tpu.memory_space<vmem>>, %arg6: memref<2x2x200x64xf32, #tpu.memory_space<vmem>>, %arg7: memref<!tpu.dma_semaphore, #tpu.memory_space<semaphore_mem>>, %arg8: memref<!tpu.dma_semaphore, #tpu.memory_space<semaphore_mem>>, %arg9: memref<!tpu.dma_semaphore, #tpu.memory_space<semaphore_mem>>, %arg10: memref<!tpu.dma_semaphore, #tpu.memory_space<semaphore_mem>>) attributes {dimension_semantics = [#tpu.dimension_semantics<core_parallel>, #tpu.dimension_semantics<subcore_parallel>], iteration_bounds = array<i64: 2, 16>, scalar_prefetch = 0 : i64, scratch_operands = 6 : i64, tpu.core_type = #tpu.core_type<sc_vector_subcore>, window_params = [{transform_indices = #map}, {transform_indices = #map}, {transform_indices = #map1}]} {
    %mul3A = arith.constant 2 : i32
    %mul3A_0 = arith.muli %arg1, %mul3A : i32
    %add3A = arith.addi %mul3A_0, %arg0 : i32
    %mul3A_1 = arith.constant 64 : i32
    %mul3A_2 = arith.muli %add3A, %mul3A_1 : i32
    %add3A_3 = arith.constant 0 : i32
    %add3A_4 = arith.addi %mul3A_2, %add3A_3 : i32
    %mul3A_5 = arith.constant 2 : i32
    %mul3A_6 = arith.muli %add3A_4, %mul3A_5 : i32
    %run_scoped3A = arith.constant 0 : i32
    "tpu.region"() ({
      %run_scoped3A_155 = tpu.sem_alloc : memref<!tpu.dma_semaphore, #tpu.memory_space<semaphore_mem>>
      %dma_start3A_156 = arith.constant 0 : i32
      %dma_start3A_157 = arith.constant 0 : i32
      %dma_start3A_158 = tpu.memref_slice %arg5[%run_scoped3A, %dma_start3A_156, %dma_start3A_157] : memref<2x2x200xi32, #tpu.memory_space<vmem>> -> memref<1x2x200xi32, #tpu.memory_space<vmem>>
      %dma_start3A_159 = tpu.memref_squeeze %dma_start3A_158 : memref<1x2x200xi32, #tpu.memory_space<vmem>> -> memref<2x200xi32, #tpu.memory_space<vmem>>
      %dma_start3A_160 = arith.constant 0 : i32
      %dma_start3A_161 = tpu.memref_slice %arg2[%mul3A_6, %dma_start3A_160] : memref<4096x200xi32, #tpu.memory_space<hbm>> -> memref<2x200xi32, #tpu.memory_space<hbm>>
      %dma_start3A_162 = arith.constant 0 : i32
      %dma_start3A_163 = arith.constant 0 : i32
      %dma_start3A_164 = tpu.memref_slice %arg5[%run_scoped3A, %dma_start3A_162, %dma_start3A_163] : memref<2x2x200xi32, #tpu.memory_space<vmem>> -> memref<1x2x200xi32, #tpu.memory_space<vmem>>
      %dma_start3A_165 = tpu.memref_squeeze %dma_start3A_164 : memref<1x2x200xi32, #tpu.memory_space<vmem>> -> memref<2x200xi32, #tpu.memory_space<vmem>>
      %dma_start3A_166 = arith.constant 0 : i32
      %dma_start3A_167 = tpu.memref_slice %arg2[%mul3A_6, %dma_start3A_166] : memref<4096x200xi32, #tpu.memory_space<hbm>> -> memref<2x200xi32, #tpu.memory_space<hbm>>
      tpu.enqueue_dma source(%dma_start3A_167 : memref<2x200xi32, #tpu.memory_space<hbm>>) target(%dma_start3A_165 : memref<2x200xi32, #tpu.memory_space<vmem>>) target_semaphore(%run_scoped3A_155 : memref<!tpu.dma_semaphore, #tpu.memory_space<semaphore_mem>>)
      %dma_wait3A_168 = arith.constant 0 : i32
      %dma_wait3A_169 = arith.constant 0 : i32
      %dma_wait3A_170 = tpu.memref_slice %arg5[%run_scoped3A, %dma_wait3A_168, %dma_wait3A_169] : memref<2x2x200xi32, #tpu.memory_space<vmem>> -> memref<1x2x200xi32, #tpu.memory_space<vmem>>
      %dma_wait3A_171 = tpu.memref_squeeze %dma_wait3A_170 : memref<1x2x200xi32, #tpu.memory_space<vmem>> -> memref<2x200xi32, #tpu.memory_space<vmem>>
      %dma_wait3A_172 = arith.constant 0 : i32
      %dma_wait3A_173 = tpu.memref_slice %arg2[%mul3A_6, %dma_wait3A_172] : memref<4096x200xi32, #tpu.memory_space<hbm>> -> memref<2x200xi32, #tpu.memory_space<hbm>>
      %dma_wait3A_174 = arith.constant 0 : i32
      %dma_wait3A_175 = arith.constant 0 : i32
      %dma_wait3A_176 = tpu.memref_slice %arg5[%run_scoped3A, %dma_wait3A_174, %dma_wait3A_175] : memref<2x2x200xi32, #tpu.memory_space<vmem>> -> memref<1x2x200xi32, #tpu.memory_space<vmem>>
      %dma_wait3A_177 = tpu.memref_squeeze %dma_wait3A_176 : memref<1x2x200xi32, #tpu.memory_space<vmem>> -> memref<2x200xi32, #tpu.memory_space<vmem>>
      %dma_wait3A_178 = arith.constant 0 : i32
      %dma_wait3A_179 = tpu.memref_slice %arg2[%mul3A_6, %dma_wait3A_178] : memref<4096x200xi32, #tpu.memory_space<hbm>> -> memref<2x200xi32, #tpu.memory_space<hbm>>
      tpu.wait_dma2 semaphore(%run_scoped3A_155 : memref<!tpu.dma_semaphore, #tpu.memory_space<semaphore_mem>>) src(%dma_wait3A_179 : memref<2x200xi32, #tpu.memory_space<hbm>>) dst(%dma_wait3A_177 : memref<2x200xi32, #tpu.memory_space<vmem>>)
      tpu.yield
    }) : () -> ()
    %dma_start3A = arith.constant 0 : i32
    %dma_start3A_7 = arith.constant 0 : i32
    %dma_start3A_8 = arith.constant 0 : i32
    %dma_start3A_9 = arith.constant 0 : i32
    %dma_start3A_10 = arith.constant 0 : i32
    %dma_start3A_11 = arith.constant 0 : i32
    %dma_start3A_12 = arith.constant 0 : i32
    %dma_start3A_13 = tpu.memref_slice %arg6[%dma_start3A_8, %dma_start3A_10, %dma_start3A_11, %dma_start3A_12] : memref<2x2x200x64xf32, #tpu.memory_space<vmem>> -> memref<1x2x200x64xf32, #tpu.memory_space<vmem>>
    %dma_start3A_14 = tpu.memref_squeeze %dma_start3A_13 : memref<1x2x200x64xf32, #tpu.memory_space<vmem>> -> memref<2x200x64xf32, #tpu.memory_space<vmem>>
    %dma_start3A_15 = arith.constant 0 : i32
    %dma_start3A_16 = arith.constant 0 : i32
    %dma_start3A_17 = tpu.memref_slice %dma_start3A_14[%dma_start3A_9, %dma_start3A_15, %dma_start3A_16] : memref<2x200x64xf32, #tpu.memory_space<vmem>> -> memref<1x200x64xf32, #tpu.memory_space<vmem>>
    %dma_start3A_18 = tpu.memref_squeeze %dma_start3A_17 : memref<1x200x64xf32, #tpu.memory_space<vmem>> -> memref<200x64xf32, #tpu.memory_space<vmem>>
    %dma_start3A_19 = arith.constant 0 : i32
    %dma_start3A_20 = arith.constant 0 : i32
    %dma_start3A_21 = tpu.memref_slice %dma_start3A_18[%dma_start3A_19, %dma_start3A_20] : memref<200x64xf32, #tpu.memory_space<vmem>> -> memref<128x64xf32, #tpu.memory_space<vmem>>
    %dma_start3A_22 = arith.constant 0 : i32
    %dma_start3A_23 = arith.constant 0 : i32
    %dma_start3A_24 = tpu.memref_slice %arg5[%dma_start3A, %dma_start3A_22, %dma_start3A_23] : memref<2x2x200xi32, #tpu.memory_space<vmem>> -> memref<1x2x200xi32, #tpu.memory_space<vmem>>
    %dma_start3A_25 = tpu.memref_squeeze %dma_start3A_24 : memref<1x2x200xi32, #tpu.memory_space<vmem>> -> memref<2x200xi32, #tpu.memory_space<vmem>>
    %dma_start3A_26 = arith.constant 0 : i32
    %dma_start3A_27 = tpu.memref_slice %dma_start3A_25[%dma_start3A_7, %dma_start3A_26] : memref<2x200xi32, #tpu.memory_space<vmem>> -> memref<1x128xi32, #tpu.memory_space<vmem>>
    %dma_start3A_28 = tpu.memref_squeeze %dma_start3A_27 : memref<1x128xi32, #tpu.memory_space<vmem>> -> memref<128xi32, #tpu.memory_space<vmem>>
    %dma_start3A_29 = arith.constant 0 : i32
    %dma_start3A_30 = arith.constant 0 : i32
    %dma_start3A_31 = tpu.memref_slice %arg3[%dma_start3A_29, %dma_start3A_30] : memref<1000000x64xf32, #tpu.memory_space<hbm>> -> memref<1000000x64xf32, #tpu.memory_space<hbm>>
    tpu.enqueue_indirect_dma source(%dma_start3A_31 : memref<1000000x64xf32, #tpu.memory_space<hbm>>) target(%dma_start3A_21 : memref<128x64xf32, #tpu.memory_space<vmem>>) offsets(%dma_start3A_28 : memref<128xi32, #tpu.memory_space<vmem>>) semaphore(%arg7 : memref<!tpu.dma_semaphore, #tpu.memory_space<semaphore_mem>>)
    %dma_start3A_32 = arith.constant 0 : i32
    %dma_start3A_33 = arith.constant 0 : i32
    %dma_start3A_34 = arith.constant 0 : i32
    %dma_start3A_35 = arith.constant 0 : i32
    %dma_start3A_36 = arith.constant 0 : i32
    %dma_start3A_37 = arith.constant 0 : i32
    %dma_start3A_38 = arith.constant 0 : i32
    %dma_start3A_39 = tpu.memref_slice %arg6[%dma_start3A_34, %dma_start3A_36, %dma_start3A_37, %dma_start3A_38] : memref<2x2x200x64xf32, #tpu.memory_space<vmem>> -> memref<1x2x200x64xf32, #tpu.memory_space<vmem>>
    %dma_start3A_40 = tpu.memref_squeeze %dma_start3A_39 : memref<1x2x200x64xf32, #tpu.memory_space<vmem>> -> memref<2x200x64xf32, #tpu.memory_space<vmem>>
    %dma_start3A_41 = arith.constant 0 : i32
    %dma_start3A_42 = arith.constant 0 : i32
    %dma_start3A_43 = tpu.memref_slice %dma_start3A_40[%dma_start3A_35, %dma_start3A_41, %dma_start3A_42] : memref<2x200x64xf32, #tpu.memory_space<vmem>> -> memref<1x200x64xf32, #tpu.memory_space<vmem>>
    %dma_start3A_44 = tpu.memref_squeeze %dma_start3A_43 : memref<1x200x64xf32, #tpu.memory_space<vmem>> -> memref<200x64xf32, #tpu.memory_space<vmem>>
    %dma_start3A_45 = arith.constant 128 : i32
    %dma_start3A_46 = arith.constant 0 : i32
    %dma_start3A_47 = tpu.memref_slice %dma_start3A_44[%dma_start3A_45, %dma_start3A_46] : memref<200x64xf32, #tpu.memory_space<vmem>> -> memref<72x64xf32, #tpu.memory_space<vmem>>
    %dma_start3A_48 = arith.constant 0 : i32
    %dma_start3A_49 = arith.constant 0 : i32
    %dma_start3A_50 = tpu.memref_slice %arg5[%dma_start3A_32, %dma_start3A_48, %dma_start3A_49] : memref<2x2x200xi32, #tpu.memory_space<vmem>> -> memref<1x2x200xi32, #tpu.memory_space<vmem>>
    %dma_start3A_51 = tpu.memref_squeeze %dma_start3A_50 : memref<1x2x200xi32, #tpu.memory_space<vmem>> -> memref<2x200xi32, #tpu.memory_space<vmem>>
    %dma_start3A_52 = arith.constant 128 : i32
    %dma_start3A_53 = tpu.memref_slice %dma_start3A_51[%dma_start3A_33, %dma_start3A_52] : memref<2x200xi32, #tpu.memory_space<vmem>> -> memref<1x72xi32, #tpu.memory_space<vmem>>
    %dma_start3A_54 = tpu.memref_squeeze %dma_start3A_53 : memref<1x72xi32, #tpu.memory_space<vmem>> -> memref<72xi32, #tpu.memory_space<vmem>>
    %dma_start3A_55 = arith.constant 0 : i32
    %dma_start3A_56 = arith.constant 0 : i32
    %dma_start3A_57 = tpu.memref_slice %arg3[%dma_start3A_55, %dma_start3A_56] : memref<1000000x64xf32, #tpu.memory_space<hbm>> -> memref<1000000x64xf32, #tpu.memory_space<hbm>>
    tpu.enqueue_indirect_dma source(%dma_start3A_57 : memref<1000000x64xf32, #tpu.memory_space<hbm>>) target(%dma_start3A_47 : memref<72x64xf32, #tpu.memory_space<vmem>>) offsets(%dma_start3A_54 : memref<72xi32, #tpu.memory_space<vmem>>) semaphore(%arg7 : memref<!tpu.dma_semaphore, #tpu.memory_space<semaphore_mem>>)
    %dma_start3A_58 = arith.constant 0 : i32
    %dma_start3A_59 = arith.constant 1 : i32
    %dma_start3A_60 = arith.constant 0 : i32
    %dma_start3A_61 = arith.constant 1 : i32
    %dma_start3A_62 = arith.constant 0 : i32
    %dma_start3A_63 = arith.constant 0 : i32
    %dma_start3A_64 = arith.constant 0 : i32
    %dma_start3A_65 = tpu.memref_slice %arg6[%dma_start3A_60, %dma_start3A_62, %dma_start3A_63, %dma_start3A_64] : memref<2x2x200x64xf32, #tpu.memory_space<vmem>> -> memref<1x2x200x64xf32, #tpu.memory_space<vmem>>
    %dma_start3A_66 = tpu.memref_squeeze %dma_start3A_65 : memref<1x2x200x64xf32, #tpu.memory_space<vmem>> -> memref<2x200x64xf32, #tpu.memory_space<vmem>>
    %dma_start3A_67 = arith.constant 0 : i32
    %dma_start3A_68 = arith.constant 0 : i32
    %dma_start3A_69 = tpu.memref_slice %dma_start3A_66[%dma_start3A_61, %dma_start3A_67, %dma_start3A_68] : memref<2x200x64xf32, #tpu.memory_space<vmem>> -> memref<1x200x64xf32, #tpu.memory_space<vmem>>
    %dma_start3A_70 = tpu.memref_squeeze %dma_start3A_69 : memref<1x200x64xf32, #tpu.memory_space<vmem>> -> memref<200x64xf32, #tpu.memory_space<vmem>>
    %dma_start3A_71 = arith.constant 0 : i32
    %dma_start3A_72 = arith.constant 0 : i32
    %dma_start3A_73 = tpu.memref_slice %dma_start3A_70[%dma_start3A_71, %dma_start3A_72] : memref<200x64xf32, #tpu.memory_space<vmem>> -> memref<128x64xf32, #tpu.memory_space<vmem>>
    %dma_start3A_74 = arith.constant 0 : i32
    %dma_start3A_75 = arith.constant 0 : i32
    %dma_start3A_76 = tpu.memref_slice %arg5[%dma_start3A_58, %dma_start3A_74, %dma_start3A_75] : memref<2x2x200xi32, #tpu.memory_space<vmem>> -> memref<1x2x200xi32, #tpu.memory_space<vmem>>
    %dma_start3A_77 = tpu.memref_squeeze %dma_start3A_76 : memref<1x2x200xi32, #tpu.memory_space<vmem>> -> memref<2x200xi32, #tpu.memory_space<vmem>>
    %dma_start3A_78 = arith.constant 0 : i32
    %dma_start3A_79 = tpu.memref_slice %dma_start3A_77[%dma_start3A_59, %dma_start3A_78] : memref<2x200xi32, #tpu.memory_space<vmem>> -> memref<1x128xi32, #tpu.memory_space<vmem>>
    %dma_start3A_80 = tpu.memref_squeeze %dma_start3A_79 : memref<1x128xi32, #tpu.memory_space<vmem>> -> memref<128xi32, #tpu.memory_space<vmem>>
    %dma_start3A_81 = arith.constant 0 : i32
    %dma_start3A_82 = arith.constant 0 : i32
    %dma_start3A_83 = tpu.memref_slice %arg3[%dma_start3A_81, %dma_start3A_82] : memref<1000000x64xf32, #tpu.memory_space<hbm>> -> memref<1000000x64xf32, #tpu.memory_space<hbm>>
    tpu.enqueue_indirect_dma source(%dma_start3A_83 : memref<1000000x64xf32, #tpu.memory_space<hbm>>) target(%dma_start3A_73 : memref<128x64xf32, #tpu.memory_space<vmem>>) offsets(%dma_start3A_80 : memref<128xi32, #tpu.memory_space<vmem>>) semaphore(%arg7 : memref<!tpu.dma_semaphore, #tpu.memory_space<semaphore_mem>>)
    %dma_start3A_84 = arith.constant 0 : i32
    %dma_start3A_85 = arith.constant 1 : i32
    %dma_start3A_86 = arith.constant 0 : i32
    %dma_start3A_87 = arith.constant 1 : i32
    %dma_start3A_88 = arith.constant 0 : i32
    %dma_start3A_89 = arith.constant 0 : i32
    %dma_start3A_90 = arith.constant 0 : i32
    %dma_start3A_91 = tpu.memref_slice %arg6[%dma_start3A_86, %dma_start3A_88, %dma_start3A_89, %dma_start3A_90] : memref<2x2x200x64xf32, #tpu.memory_space<vmem>> -> memref<1x2x200x64xf32, #tpu.memory_space<vmem>>
    %dma_start3A_92 = tpu.memref_squeeze %dma_start3A_91 : memref<1x2x200x64xf32, #tpu.memory_space<vmem>> -> memref<2x200x64xf32, #tpu.memory_space<vmem>>
    %dma_start3A_93 = arith.constant 0 : i32
    %dma_start3A_94 = arith.constant 0 : i32
    %dma_start3A_95 = tpu.memref_slice %dma_start3A_92[%dma_start3A_87, %dma_start3A_93, %dma_start3A_94] : memref<2x200x64xf32, #tpu.memory_space<vmem>> -> memref<1x200x64xf32, #tpu.memory_space<vmem>>
    %dma_start3A_96 = tpu.memref_squeeze %dma_start3A_95 : memref<1x200x64xf32, #tpu.memory_space<vmem>> -> memref<200x64xf32, #tpu.memory_space<vmem>>
    %dma_start3A_97 = arith.constant 128 : i32
    %dma_start3A_98 = arith.constant 0 : i32
    %dma_start3A_99 = tpu.memref_slice %dma_start3A_96[%dma_start3A_97, %dma_start3A_98] : memref<200x64xf32, #tpu.memory_space<vmem>> -> memref<72x64xf32, #tpu.memory_space<vmem>>
    %dma_start3A_100 = arith.constant 0 : i32
    %dma_start3A_101 = arith.constant 0 : i32
    %dma_start3A_102 = tpu.memref_slice %arg5[%dma_start3A_84, %dma_start3A_100, %dma_start3A_101] : memref<2x2x200xi32, #tpu.memory_space<vmem>> -> memref<1x2x200xi32, #tpu.memory_space<vmem>>
    %dma_start3A_103 = tpu.memref_squeeze %dma_start3A_102 : memref<1x2x200xi32, #tpu.memory_space<vmem>> -> memref<2x200xi32, #tpu.memory_space<vmem>>
    %dma_start3A_104 = arith.constant 128 : i32
    %dma_start3A_105 = tpu.memref_slice %dma_start3A_103[%dma_start3A_85, %dma_start3A_104] : memref<2x200xi32, #tpu.memory_space<vmem>> -> memref<1x72xi32, #tpu.memory_space<vmem>>
    %dma_start3A_106 = tpu.memref_squeeze %dma_start3A_105 : memref<1x72xi32, #tpu.memory_space<vmem>> -> memref<72xi32, #tpu.memory_space<vmem>>
    %dma_start3A_107 = arith.constant 0 : i32
    %dma_start3A_108 = arith.constant 0 : i32
    %dma_start3A_109 = tpu.memref_slice %arg3[%dma_start3A_107, %dma_start3A_108] : memref<1000000x64xf32, #tpu.memory_space<hbm>> -> memref<1000000x64xf32, #tpu.memory_space<hbm>>
    tpu.enqueue_indirect_dma source(%dma_start3A_109 : memref<1000000x64xf32, #tpu.memory_space<hbm>>) target(%dma_start3A_99 : memref<72x64xf32, #tpu.memory_space<vmem>>) offsets(%dma_start3A_106 : memref<72xi32, #tpu.memory_space<vmem>>) semaphore(%arg7 : memref<!tpu.dma_semaphore, #tpu.memory_space<semaphore_mem>>)
    %scan3A = arith.constant 0 : i32
    %scan3A_110 = arith.constant 32 : i32
    %scan3A_111 = arith.addi %scan3A, %scan3A_110 : i32
    %scan3A_112 = arith.constant 1 : i32
    scf.for %scan3A_155 = %scan3A to %scan3A_111 step %scan3A_112  : i32 {
      %mul3A_156 = arith.constant 2 : i32
      %mul3A_157 = arith.muli %scan3A_155, %mul3A_156 : i32
      %add3A_158 = arith.constant 0 : i32
      %add3A_159 = arith.addi %mul3A_157, %add3A_158 : i32
      %add3A_160 = arith.constant 1 : i32
      %add3A_161 = arith.addi %add3A_159, %add3A_160 : i32
      %ge3A = arith.constant 2 : i32
      %ge3A_162 = arith.cmpi sge, %add3A_161, %ge3A : i32
      %lt3A = arith.constant 64 : i32
      %lt3A_163 = arith.cmpi slt, %add3A_161, %lt3A : i32
      %and3A = arith.andi %ge3A_162, %lt3A_163 : i1
      %convert_element_type3A = arith.extui %and3A : i1 to i32
      %cond3A = arith.constant 0 : i32
      %cond3A_164 = arith.cmpi ne, %convert_element_type3A, %cond3A : i32
      scf.if %cond3A_164 {
        %sub3A = arith.constant 2 : i32
        %sub3A_442 = arith.subi %add3A_161, %sub3A : i32
        %add3A_443 = arith.addi %mul3A_2, %sub3A_442 : i32
        %mul3A_444 = arith.constant 2 : i32
        %mul3A_445 = arith.muli %add3A_443, %mul3A_444 : i32
        %dma_wait3A_446 = arith.constant 1 : i32
        %dma_wait3A_447 = arith.constant 0 : i32
        %dma_wait3A_448 = arith.constant 0 : i32
        %dma_wait3A_449 = arith.constant 0 : i32
        %dma_wait3A_450 = tpu.memref_slice %arg6[%dma_wait3A_446, %dma_wait3A_447, %dma_wait3A_448, %dma_wait3A_449] : memref<2x2x200x64xf32, #tpu.memory_space<vmem>> -> memref<1x2x200x64xf32, #tpu.memory_space<vmem>>
        %dma_wait3A_451 = tpu.memref_squeeze %dma_wait3A_450 : memref<1x2x200x64xf32, #tpu.memory_space<vmem>> -> memref<2x200x64xf32, #tpu.memory_space<vmem>>
        %dma_wait3A_452 = arith.constant 0 : i32
        %dma_wait3A_453 = arith.constant 0 : i32
        %dma_wait3A_454 = tpu.memref_slice %arg4[%mul3A_445, %dma_wait3A_452, %dma_wait3A_453] : memref<4096x200x64xf32, #tpu.memory_space<hbm>> -> memref<2x200x64xf32, #tpu.memory_space<hbm>>
        %dma_wait3A_455 = arith.constant 0 : i32
        %dma_wait3A_456 = arith.constant 0 : i32
        %dma_wait3A_457 = tpu.memref_slice %arg4[%mul3A_445, %dma_wait3A_455, %dma_wait3A_456] : memref<4096x200x64xf32, #tpu.memory_space<hbm>> -> memref<2x200x64xf32, #tpu.memory_space<hbm>>
        %dma_wait3A_458 = arith.constant 0 : i32
        %dma_wait3A_459 = arith.constant 0 : i32
        %dma_wait3A_460 = arith.constant 0 : i32
        %dma_wait3A_461 = tpu.memref_slice %arg6[%dma_wait3A_446, %dma_wait3A_458, %dma_wait3A_459, %dma_wait3A_460] : memref<2x2x200x64xf32, #tpu.memory_space<vmem>> -> memref<1x2x200x64xf32, #tpu.memory_space<vmem>>
        %dma_wait3A_462 = tpu.memref_squeeze %dma_wait3A_461 : memref<1x2x200x64xf32, #tpu.memory_space<vmem>> -> memref<2x200x64xf32, #tpu.memory_space<vmem>>
        tpu.wait_dma2 semaphore(%arg10 : memref<!tpu.dma_semaphore, #tpu.memory_space<semaphore_mem>>) src(%dma_wait3A_462 : memref<2x200x64xf32, #tpu.memory_space<vmem>>) dst(%dma_wait3A_457 : memref<2x200x64xf32, #tpu.memory_space<hbm>>)
      } else {
      }
      %lt3A_165 = arith.constant 64 : i32
      %lt3A_166 = arith.cmpi slt, %add3A_161, %lt3A_165 : i32
      %convert_element_type3A_167 = arith.extui %lt3A_166 : i1 to i32
      %cond3A_168 = arith.constant 0 : i32
      %cond3A_169 = arith.cmpi ne, %convert_element_type3A_167, %cond3A_168 : i32
      scf.if %cond3A_169 {
        %add3A_442 = arith.addi %mul3A_2, %add3A_161 : i32
        %mul3A_443 = arith.constant 2 : i32
        %mul3A_444 = arith.muli %add3A_442, %mul3A_443 : i32
        %run_scoped3A_445 = arith.constant 1 : i32
        "tpu.region"() ({
          %run_scoped3A_550 = tpu.sem_alloc : memref<!tpu.dma_semaphore, #tpu.memory_space<semaphore_mem>>
          %dma_start3A_551 = arith.constant 0 : i32
          %dma_start3A_552 = arith.constant 0 : i32
          %dma_start3A_553 = tpu.memref_slice %arg5[%run_scoped3A_445, %dma_start3A_551, %dma_start3A_552] : memref<2x2x200xi32, #tpu.memory_space<vmem>> -> memref<1x2x200xi32, #tpu.memory_space<vmem>>
          %dma_start3A_554 = tpu.memref_squeeze %dma_start3A_553 : memref<1x2x200xi32, #tpu.memory_space<vmem>> -> memref<2x200xi32, #tpu.memory_space<vmem>>
          %dma_start3A_555 = arith.constant 0 : i32
          %dma_start3A_556 = tpu.memref_slice %arg2[%mul3A_444, %dma_start3A_555] : memref<4096x200xi32, #tpu.memory_space<hbm>> -> memref<2x200xi32, #tpu.memory_space<hbm>>
          %dma_start3A_557 = arith.constant 0 : i32
          %dma_start3A_558 = arith.constant 0 : i32
          %dma_start3A_559 = tpu.memref_slice %arg5[%run_scoped3A_445, %dma_start3A_557, %dma_start3A_558] : memref<2x2x200xi32, #tpu.memory_space<vmem>> -> memref<1x2x200xi32, #tpu.memory_space<vmem>>
          %dma_start3A_560 = tpu.memref_squeeze %dma_start3A_559 : memref<1x2x200xi32, #tpu.memory_space<vmem>> -> memref<2x200xi32, #tpu.memory_space<vmem>>
          %dma_start3A_561 = arith.constant 0 : i32
          %dma_start3A_562 = tpu.memref_slice %arg2[%mul3A_444, %dma_start3A_561] : memref<4096x200xi32, #tpu.memory_space<hbm>> -> memref<2x200xi32, #tpu.memory_space<hbm>>
          tpu.enqueue_dma source(%dma_start3A_562 : memref<2x200xi32, #tpu.memory_space<hbm>>) target(%dma_start3A_560 : memref<2x200xi32, #tpu.memory_space<vmem>>) target_semaphore(%run_scoped3A_550 : memref<!tpu.dma_semaphore, #tpu.memory_space<semaphore_mem>>)
          %dma_wait3A_563 = arith.constant 0 : i32
          %dma_wait3A_564 = arith.constant 0 : i32
          %dma_wait3A_565 = tpu.memref_slice %arg5[%run_scoped3A_445, %dma_wait3A_563, %dma_wait3A_564] : memref<2x2x200xi32, #tpu.memory_space<vmem>> -> memref<1x2x200xi32, #tpu.memory_space<vmem>>
          %dma_wait3A_566 = tpu.memref_squeeze %dma_wait3A_565 : memref<1x2x200xi32, #tpu.memory_space<vmem>> -> memref<2x200xi32, #tpu.memory_space<vmem>>
          %dma_wait3A_567 = arith.constant 0 : i32
          %dma_wait3A_568 = tpu.memref_slice %arg2[%mul3A_444, %dma_wait3A_567] : memref<4096x200xi32, #tpu.memory_space<hbm>> -> memref<2x200xi32, #tpu.memory_space<hbm>>
          %dma_wait3A_569 = arith.constant 0 : i32
          %dma_wait3A_570 = arith.constant 0 : i32
          %dma_wait3A_571 = tpu.memref_slice %arg5[%run_scoped3A_445, %dma_wait3A_569, %dma_wait3A_570] : memref<2x2x200xi32, #tpu.memory_space<vmem>> -> memref<1x2x200xi32, #tpu.memory_space<vmem>>
          %dma_wait3A_572 = tpu.memref_squeeze %dma_wait3A_571 : memref<1x2x200xi32, #tpu.memory_space<vmem>> -> memref<2x200xi32, #tpu.memory_space<vmem>>
          %dma_wait3A_573 = arith.constant 0 : i32
          %dma_wait3A_574 = tpu.memref_slice %arg2[%mul3A_444, %dma_wait3A_573] : memref<4096x200xi32, #tpu.memory_space<hbm>> -> memref<2x200xi32, #tpu.memory_space<hbm>>
          tpu.wait_dma2 semaphore(%run_scoped3A_550 : memref<!tpu.dma_semaphore, #tpu.memory_space<semaphore_mem>>) src(%dma_wait3A_574 : memref<2x200xi32, #tpu.memory_space<hbm>>) dst(%dma_wait3A_572 : memref<2x200xi32, #tpu.memory_space<vmem>>)
          tpu.yield
        }) : () -> ()
        %dma_start3A_446 = arith.constant 1 : i32
        %dma_start3A_447 = arith.constant 0 : i32
        %dma_start3A_448 = arith.constant 1 : i32
        %dma_start3A_449 = arith.constant 0 : i32
        %dma_start3A_450 = arith.constant 0 : i32
        %dma_start3A_451 = arith.constant 0 : i32
        %dma_start3A_452 = arith.constant 0 : i32
        %dma_start3A_453 = tpu.memref_slice %arg6[%dma_start3A_448, %dma_start3A_450, %dma_start3A_451, %dma_start3A_452] : memref<2x2x200x64xf32, #tpu.memory_space<vmem>> -> memref<1x2x200x64xf32, #tpu.memory_space<vmem>>
        %dma_start3A_454 = tpu.memref_squeeze %dma_start3A_453 : memref<1x2x200x64xf32, #tpu.memory_space<vmem>> -> memref<2x200x64xf32, #tpu.memory_space<vmem>>
        %dma_start3A_455 = arith.constant 0 : i32
        %dma_start3A_456 = arith.constant 0 : i32
        %dma_start3A_457 = tpu.memref_slice %dma_start3A_454[%dma_start3A_449, %dma_start3A_455, %dma_start3A_456] : memref<2x200x64xf32, #tpu.memory_space<vmem>> -> memref<1x200x64xf32, #tpu.memory_space<vmem>>
        %dma_start3A_458 = tpu.memref_squeeze %dma_start3A_457 : memref<1x200x64xf32, #tpu.memory_space<vmem>> -> memref<200x64xf32, #tpu.memory_space<vmem>>
        %dma_start3A_459 = arith.constant 0 : i32
        %dma_start3A_460 = arith.constant 0 : i32
        %dma_start3A_461 = tpu.memref_slice %dma_start3A_458[%dma_start3A_459, %dma_start3A_460] : memref<200x64xf32, #tpu.memory_space<vmem>> -> memref<128x64xf32, #tpu.memory_space<vmem>>
        %dma_start3A_462 = arith.constant 0 : i32
        %dma_start3A_463 = arith.constant 0 : i32
        %dma_start3A_464 = tpu.memref_slice %arg5[%dma_start3A_446, %dma_start3A_462, %dma_start3A_463] : memref<2x2x200xi32, #tpu.memory_space<vmem>> -> memref<1x2x200xi32, #tpu.memory_space<vmem>>
        %dma_start3A_465 = tpu.memref_squeeze %dma_start3A_464 : memref<1x2x200xi32, #tpu.memory_space<vmem>> -> memref<2x200xi32, #tpu.memory_space<vmem>>
        %dma_start3A_466 = arith.constant 0 : i32
        %dma_start3A_467 = tpu.memref_slice %dma_start3A_465[%dma_start3A_447, %dma_start3A_466] : memref<2x200xi32, #tpu.memory_space<vmem>> -> memref<1x128xi32, #tpu.memory_space<vmem>>
        %dma_start3A_468 = tpu.memref_squeeze %dma_start3A_467 : memref<1x128xi32, #tpu.memory_space<vmem>> -> memref<128xi32, #tpu.memory_space<vmem>>
        %dma_start3A_469 = arith.constant 0 : i32
        %dma_start3A_470 = arith.constant 0 : i32
        %dma_start3A_471 = tpu.memref_slice %arg3[%dma_start3A_469, %dma_start3A_470] : memref<1000000x64xf32, #tpu.memory_space<hbm>> -> memref<1000000x64xf32, #tpu.memory_space<hbm>>
        tpu.enqueue_indirect_dma source(%dma_start3A_471 : memref<1000000x64xf32, #tpu.memory_space<hbm>>) target(%dma_start3A_461 : memref<128x64xf32, #tpu.memory_space<vmem>>) offsets(%dma_start3A_468 : memref<128xi32, #tpu.memory_space<vmem>>) semaphore(%arg8 : memref<!tpu.dma_semaphore, #tpu.memory_space<semaphore_mem>>)
        %dma_start3A_472 = arith.constant 1 : i32
        %dma_start3A_473 = arith.constant 0 : i32
        %dma_start3A_474 = arith.constant 1 : i32
        %dma_start3A_475 = arith.constant 0 : i32
        %dma_start3A_476 = arith.constant 0 : i32
        %dma_start3A_477 = arith.constant 0 : i32
        %dma_start3A_478 = arith.constant 0 : i32
        %dma_start3A_479 = tpu.memref_slice %arg6[%dma_start3A_474, %dma_start3A_476, %dma_start3A_477, %dma_start3A_478] : memref<2x2x200x64xf32, #tpu.memory_space<vmem>> -> memref<1x2x200x64xf32, #tpu.memory_space<vmem>>
        %dma_start3A_480 = tpu.memref_squeeze %dma_start3A_479 : memref<1x2x200x64xf32, #tpu.memory_space<vmem>> -> memref<2x200x64xf32, #tpu.memory_space<vmem>>
        %dma_start3A_481 = arith.constant 0 : i32
        %dma_start3A_482 = arith.constant 0 : i32
        %dma_start3A_483 = tpu.memref_slice %dma_start3A_480[%dma_start3A_475, %dma_start3A_481, %dma_start3A_482] : memref<2x200x64xf32, #tpu.memory_space<vmem>> -> memref<1x200x64xf32, #tpu.memory_space<vmem>>
        %dma_start3A_484 = tpu.memref_squeeze %dma_start3A_483 : memref<1x200x64xf32, #tpu.memory_space<vmem>> -> memref<200x64xf32, #tpu.memory_space<vmem>>
        %dma_start3A_485 = arith.constant 128 : i32
        %dma_start3A_486 = arith.constant 0 : i32
        %dma_start3A_487 = tpu.memref_slice %dma_start3A_484[%dma_start3A_485, %dma_start3A_486] : memref<200x64xf32, #tpu.memory_space<vmem>> -> memref<72x64xf32, #tpu.memory_space<vmem>>
        %dma_start3A_488 = arith.constant 0 : i32
        %dma_start3A_489 = arith.constant 0 : i32
        %dma_start3A_490 = tpu.memref_slice %arg5[%dma_start3A_472, %dma_start3A_488, %dma_start3A_489] : memref<2x2x200xi32, #tpu.memory_space<vmem>> -> memref<1x2x200xi32, #tpu.memory_space<vmem>>
        %dma_start3A_491 = tpu.memref_squeeze %dma_start3A_490 : memref<1x2x200xi32, #tpu.memory_space<vmem>> -> memref<2x200xi32, #tpu.memory_space<vmem>>
        %dma_start3A_492 = arith.constant 128 : i32
        %dma_start3A_493 = tpu.memref_slice %dma_start3A_491[%dma_start3A_473, %dma_start3A_492] : memref<2x200xi32, #tpu.memory_space<vmem>> -> memref<1x72xi32, #tpu.memory_space<vmem>>
        %dma_start3A_494 = tpu.memref_squeeze %dma_start3A_493 : memref<1x72xi32, #tpu.memory_space<vmem>> -> memref<72xi32, #tpu.memory_space<vmem>>
        %dma_start3A_495 = arith.constant 0 : i32
        %dma_start3A_496 = arith.constant 0 : i32
        %dma_start3A_497 = tpu.memref_slice %arg3[%dma_start3A_495, %dma_start3A_496] : memref<1000000x64xf32, #tpu.memory_space<hbm>> -> memref<1000000x64xf32, #tpu.memory_space<hbm>>
        tpu.enqueue_indirect_dma source(%dma_start3A_497 : memref<1000000x64xf32, #tpu.memory_space<hbm>>) target(%dma_start3A_487 : memref<72x64xf32, #tpu.memory_space<vmem>>) offsets(%dma_start3A_494 : memref<72xi32, #tpu.memory_space<vmem>>) semaphore(%arg8 : memref<!tpu.dma_semaphore, #tpu.memory_space<semaphore_mem>>)
        %dma_start3A_498 = arith.constant 1 : i32
        %dma_start3A_499 = arith.constant 1 : i32
        %dma_start3A_500 = arith.constant 1 : i32
        %dma_start3A_501 = arith.constant 1 : i32
        %dma_start3A_502 = arith.constant 0 : i32
        %dma_start3A_503 = arith.constant 0 : i32
        %dma_start3A_504 = arith.constant 0 : i32
        %dma_start3A_505 = tpu.memref_slice %arg6[%dma_start3A_500, %dma_start3A_502, %dma_start3A_503, %dma_start3A_504] : memref<2x2x200x64xf32, #tpu.memory_space<vmem>> -> memref<1x2x200x64xf32, #tpu.memory_space<vmem>>
        %dma_start3A_506 = tpu.memref_squeeze %dma_start3A_505 : memref<1x2x200x64xf32, #tpu.memory_space<vmem>> -> memref<2x200x64xf32, #tpu.memory_space<vmem>>
        %dma_start3A_507 = arith.constant 0 : i32
        %dma_start3A_508 = arith.constant 0 : i32
        %dma_start3A_509 = tpu.memref_slice %dma_start3A_506[%dma_start3A_501, %dma_start3A_507, %dma_start3A_508] : memref<2x200x64xf32, #tpu.memory_space<vmem>> -> memref<1x200x64xf32, #tpu.memory_space<vmem>>
        %dma_start3A_510 = tpu.memref_squeeze %dma_start3A_509 : memref<1x200x64xf32, #tpu.memory_space<vmem>> -> memref<200x64xf32, #tpu.memory_space<vmem>>
        %dma_start3A_511 = arith.constant 0 : i32
        %dma_start3A_512 = arith.constant 0 : i32
        %dma_start3A_513 = tpu.memref_slice %dma_start3A_510[%dma_start3A_511, %dma_start3A_512] : memref<200x64xf32, #tpu.memory_space<vmem>> -> memref<128x64xf32, #tpu.memory_space<vmem>>
        %dma_start3A_514 = arith.constant 0 : i32
        %dma_start3A_515 = arith.constant 0 : i32
        %dma_start3A_516 = tpu.memref_slice %arg5[%dma_start3A_498, %dma_start3A_514, %dma_start3A_515] : memref<2x2x200xi32, #tpu.memory_space<vmem>> -> memref<1x2x200xi32, #tpu.memory_space<vmem>>
        %dma_start3A_517 = tpu.memref_squeeze %dma_start3A_516 : memref<1x2x200xi32, #tpu.memory_space<vmem>> -> memref<2x200xi32, #tpu.memory_space<vmem>>
        %dma_start3A_518 = arith.constant 0 : i32
        %dma_start3A_519 = tpu.memref_slice %dma_start3A_517[%dma_start3A_499, %dma_start3A_518] : memref<2x200xi32, #tpu.memory_space<vmem>> -> memref<1x128xi32, #tpu.memory_space<vmem>>
        %dma_start3A_520 = tpu.memref_squeeze %dma_start3A_519 : memref<1x128xi32, #tpu.memory_space<vmem>> -> memref<128xi32, #tpu.memory_space<vmem>>
        %dma_start3A_521 = arith.constant 0 : i32
        %dma_start3A_522 = arith.constant 0 : i32
        %dma_start3A_523 = tpu.memref_slice %arg3[%dma_start3A_521, %dma_start3A_522] : memref<1000000x64xf32, #tpu.memory_space<hbm>> -> memref<1000000x64xf32, #tpu.memory_space<hbm>>
        tpu.enqueue_indirect_dma source(%dma_start3A_523 : memref<1000000x64xf32, #tpu.memory_space<hbm>>) target(%dma_start3A_513 : memref<128x64xf32, #tpu.memory_space<vmem>>) offsets(%dma_start3A_520 : memref<128xi32, #tpu.memory_space<vmem>>) semaphore(%arg8 : memref<!tpu.dma_semaphore, #tpu.memory_space<semaphore_mem>>)
        %dma_start3A_524 = arith.constant 1 : i32
        %dma_start3A_525 = arith.constant 1 : i32
        %dma_start3A_526 = arith.constant 1 : i32
        %dma_start3A_527 = arith.constant 1 : i32
        %dma_start3A_528 = arith.constant 0 : i32
        %dma_start3A_529 = arith.constant 0 : i32
        %dma_start3A_530 = arith.constant 0 : i32
        %dma_start3A_531 = tpu.memref_slice %arg6[%dma_start3A_526, %dma_start3A_528, %dma_start3A_529, %dma_start3A_530] : memref<2x2x200x64xf32, #tpu.memory_space<vmem>> -> memref<1x2x200x64xf32, #tpu.memory_space<vmem>>
        %dma_start3A_532 = tpu.memref_squeeze %dma_start3A_531 : memref<1x2x200x64xf32, #tpu.memory_space<vmem>> -> memref<2x200x64xf32, #tpu.memory_space<vmem>>
        %dma_start3A_533 = arith.constant 0 : i32
        %dma_start3A_534 = arith.constant 0 : i32
        %dma_start3A_535 = tpu.memref_slice %dma_start3A_532[%dma_start3A_527, %dma_start3A_533, %dma_start3A_534] : memref<2x200x64xf32, #tpu.memory_space<vmem>> -> memref<1x200x64xf32, #tpu.memory_space<vmem>>
        %dma_start3A_536 = tpu.memref_squeeze %dma_start3A_535 : memref<1x200x64xf32, #tpu.memory_space<vmem>> -> memref<200x64xf32, #tpu.memory_space<vmem>>
        %dma_start3A_537 = arith.constant 128 : i32
        %dma_start3A_538 = arith.constant 0 : i32
        %dma_start3A_539 = tpu.memref_slice %dma_start3A_536[%dma_start3A_537, %dma_start3A_538] : memref<200x64xf32, #tpu.memory_space<vmem>> -> memref<72x64xf32, #tpu.memory_space<vmem>>
        %dma_start3A_540 = arith.constant 0 : i32
        %dma_start3A_541 = arith.constant 0 : i32
        %dma_start3A_542 = tpu.memref_slice %arg5[%dma_start3A_524, %dma_start3A_540, %dma_start3A_541] : memref<2x2x200xi32, #tpu.memory_space<vmem>> -> memref<1x2x200xi32, #tpu.memory_space<vmem>>
        %dma_start3A_543 = tpu.memref_squeeze %dma_start3A_542 : memref<1x2x200xi32, #tpu.memory_space<vmem>> -> memref<2x200xi32, #tpu.memory_space<vmem>>
        %dma_start3A_544 = arith.constant 128 : i32
        %dma_start3A_545 = tpu.memref_slice %dma_start3A_543[%dma_start3A_525, %dma_start3A_544] : memref<2x200xi32, #tpu.memory_space<vmem>> -> memref<1x72xi32, #tpu.memory_space<vmem>>
        %dma_start3A_546 = tpu.memref_squeeze %dma_start3A_545 : memref<1x72xi32, #tpu.memory_space<vmem>> -> memref<72xi32, #tpu.memory_space<vmem>>
        %dma_start3A_547 = arith.constant 0 : i32
        %dma_start3A_548 = arith.constant 0 : i32
        %dma_start3A_549 = tpu.memref_slice %arg3[%dma_start3A_547, %dma_start3A_548] : memref<1000000x64xf32, #tpu.memory_space<hbm>> -> memref<1000000x64xf32, #tpu.memory_space<hbm>>
        tpu.enqueue_indirect_dma source(%dma_start3A_549 : memref<1000000x64xf32, #tpu.memory_space<hbm>>) target(%dma_start3A_539 : memref<72x64xf32, #tpu.memory_space<vmem>>) offsets(%dma_start3A_546 : memref<72xi32, #tpu.memory_space<vmem>>) semaphore(%arg8 : memref<!tpu.dma_semaphore, #tpu.memory_space<semaphore_mem>>)
      } else {
      }
      %dma_wait3A_170 = arith.constant 0 : i32
      %dma_wait3A_171 = arith.constant 0 : i32
      %dma_wait3A_172 = arith.constant 0 : i32
      %dma_wait3A_173 = arith.constant 0 : i32
      %dma_wait3A_174 = arith.constant 0 : i32
      %dma_wait3A_175 = arith.constant 0 : i32
      %dma_wait3A_176 = arith.constant 0 : i32
      %dma_wait3A_177 = tpu.memref_slice %arg6[%dma_wait3A_172, %dma_wait3A_174, %dma_wait3A_175, %dma_wait3A_176] : memref<2x2x200x64xf32, #tpu.memory_space<vmem>> -> memref<1x2x200x64xf32, #tpu.memory_space<vmem>>
      %dma_wait3A_178 = tpu.memref_squeeze %dma_wait3A_177 : memref<1x2x200x64xf32, #tpu.memory_space<vmem>> -> memref<2x200x64xf32, #tpu.memory_space<vmem>>
      %dma_wait3A_179 = arith.constant 0 : i32
      %dma_wait3A_180 = arith.constant 0 : i32
      %dma_wait3A_181 = tpu.memref_slice %dma_wait3A_178[%dma_wait3A_173, %dma_wait3A_179, %dma_wait3A_180] : memref<2x200x64xf32, #tpu.memory_space<vmem>> -> memref<1x200x64xf32, #tpu.memory_space<vmem>>
      %dma_wait3A_182 = tpu.memref_squeeze %dma_wait3A_181 : memref<1x200x64xf32, #tpu.memory_space<vmem>> -> memref<200x64xf32, #tpu.memory_space<vmem>>
      %dma_wait3A_183 = arith.constant 0 : i32
      %dma_wait3A_184 = arith.constant 0 : i32
      %dma_wait3A_185 = tpu.memref_slice %dma_wait3A_182[%dma_wait3A_183, %dma_wait3A_184] : memref<200x64xf32, #tpu.memory_space<vmem>> -> memref<128x64xf32, #tpu.memory_space<vmem>>
      %dma_wait3A_186 = arith.constant 0 : i32
      %dma_wait3A_187 = arith.constant 0 : i32
      %dma_wait3A_188 = tpu.memref_slice %arg5[%dma_wait3A_170, %dma_wait3A_186, %dma_wait3A_187] : memref<2x2x200xi32, #tpu.memory_space<vmem>> -> memref<1x2x200xi32, #tpu.memory_space<vmem>>
      %dma_wait3A_189 = tpu.memref_squeeze %dma_wait3A_188 : memref<1x2x200xi32, #tpu.memory_space<vmem>> -> memref<2x200xi32, #tpu.memory_space<vmem>>
      %dma_wait3A_190 = arith.constant 0 : i32
      %dma_wait3A_191 = tpu.memref_slice %dma_wait3A_189[%dma_wait3A_171, %dma_wait3A_190] : memref<2x200xi32, #tpu.memory_space<vmem>> -> memref<1x128xi32, #tpu.memory_space<vmem>>
      %dma_wait3A_192 = tpu.memref_squeeze %dma_wait3A_191 : memref<1x128xi32, #tpu.memory_space<vmem>> -> memref<128xi32, #tpu.memory_space<vmem>>
      %dma_wait3A_193 = arith.constant 0 : i32
      %dma_wait3A_194 = arith.constant 0 : i32
      %dma_wait3A_195 = tpu.memref_slice %arg3[%dma_wait3A_193, %dma_wait3A_194] : memref<1000000x64xf32, #tpu.memory_space<hbm>> -> memref<1000000x64xf32, #tpu.memory_space<hbm>>
      tpu.wait_indirect_dma semaphore(%arg7 : memref<!tpu.dma_semaphore, #tpu.memory_space<semaphore_mem>>) src(%dma_wait3A_195 : memref<1000000x64xf32, #tpu.memory_space<hbm>>) dst(%dma_wait3A_185 : memref<128x64xf32, #tpu.memory_space<vmem>>)
      %dma_wait3A_196 = arith.constant 0 : i32
      %dma_wait3A_197 = arith.constant 0 : i32
      %dma_wait3A_198 = arith.constant 0 : i32
      %dma_wait3A_199 = arith.constant 0 : i32
      %dma_wait3A_200 = arith.constant 0 : i32
      %dma_wait3A_201 = arith.constant 0 : i32
      %dma_wait3A_202 = arith.constant 0 : i32
      %dma_wait3A_203 = tpu.memref_slice %arg6[%dma_wait3A_198, %dma_wait3A_200, %dma_wait3A_201, %dma_wait3A_202] : memref<2x2x200x64xf32, #tpu.memory_space<vmem>> -> memref<1x2x200x64xf32, #tpu.memory_space<vmem>>
      %dma_wait3A_204 = tpu.memref_squeeze %dma_wait3A_203 : memref<1x2x200x64xf32, #tpu.memory_space<vmem>> -> memref<2x200x64xf32, #tpu.memory_space<vmem>>
      %dma_wait3A_205 = arith.constant 0 : i32
      %dma_wait3A_206 = arith.constant 0 : i32
      %dma_wait3A_207 = tpu.memref_slice %dma_wait3A_204[%dma_wait3A_199, %dma_wait3A_205, %dma_wait3A_206] : memref<2x200x64xf32, #tpu.memory_space<vmem>> -> memref<1x200x64xf32, #tpu.memory_space<vmem>>
      %dma_wait3A_208 = tpu.memref_squeeze %dma_wait3A_207 : memref<1x200x64xf32, #tpu.memory_space<vmem>> -> memref<200x64xf32, #tpu.memory_space<vmem>>
      %dma_wait3A_209 = arith.constant 128 : i32
      %dma_wait3A_210 = arith.constant 0 : i32
      %dma_wait3A_211 = tpu.memref_slice %dma_wait3A_208[%dma_wait3A_209, %dma_wait3A_210] : memref<200x64xf32, #tpu.memory_space<vmem>> -> memref<72x64xf32, #tpu.memory_space<vmem>>
      %dma_wait3A_212 = arith.constant 0 : i32
      %dma_wait3A_213 = arith.constant 0 : i32
      %dma_wait3A_214 = tpu.memref_slice %arg5[%dma_wait3A_196, %dma_wait3A_212, %dma_wait3A_213] : memref<2x2x200xi32, #tpu.memory_space<vmem>> -> memref<1x2x200xi32, #tpu.memory_space<vmem>>
      %dma_wait3A_215 = tpu.memref_squeeze %dma_wait3A_214 : memref<1x2x200xi32, #tpu.memory_space<vmem>> -> memref<2x200xi32, #tpu.memory_space<vmem>>
      %dma_wait3A_216 = arith.constant 128 : i32
      %dma_wait3A_217 = tpu.memref_slice %dma_wait3A_215[%dma_wait3A_197, %dma_wait3A_216] : memref<2x200xi32, #tpu.memory_space<vmem>> -> memref<1x72xi32, #tpu.memory_space<vmem>>
      %dma_wait3A_218 = tpu.memref_squeeze %dma_wait3A_217 : memref<1x72xi32, #tpu.memory_space<vmem>> -> memref<72xi32, #tpu.memory_space<vmem>>
      %dma_wait3A_219 = arith.constant 0 : i32
      %dma_wait3A_220 = arith.constant 0 : i32
      %dma_wait3A_221 = tpu.memref_slice %arg3[%dma_wait3A_219, %dma_wait3A_220] : memref<1000000x64xf32, #tpu.memory_space<hbm>> -> memref<1000000x64xf32, #tpu.memory_space<hbm>>
      tpu.wait_indirect_dma semaphore(%arg7 : memref<!tpu.dma_semaphore, #tpu.memory_space<semaphore_mem>>) src(%dma_wait3A_221 : memref<1000000x64xf32, #tpu.memory_space<hbm>>) dst(%dma_wait3A_211 : memref<72x64xf32, #tpu.memory_space<vmem>>)
      %dma_wait3A_222 = arith.constant 0 : i32
      %dma_wait3A_223 = arith.constant 1 : i32
      %dma_wait3A_224 = arith.constant 0 : i32
      %dma_wait3A_225 = arith.constant 1 : i32
      %dma_wait3A_226 = arith.constant 0 : i32
      %dma_wait3A_227 = arith.constant 0 : i32
      %dma_wait3A_228 = arith.constant 0 : i32
      %dma_wait3A_229 = tpu.memref_slice %arg6[%dma_wait3A_224, %dma_wait3A_226, %dma_wait3A_227, %dma_wait3A_228] : memref<2x2x200x64xf32, #tpu.memory_space<vmem>> -> memref<1x2x200x64xf32, #tpu.memory_space<vmem>>
      %dma_wait3A_230 = tpu.memref_squeeze %dma_wait3A_229 : memref<1x2x200x64xf32, #tpu.memory_space<vmem>> -> memref<2x200x64xf32, #tpu.memory_space<vmem>>
      %dma_wait3A_231 = arith.constant 0 : i32
      %dma_wait3A_232 = arith.constant 0 : i32
      %dma_wait3A_233 = tpu.memref_slice %dma_wait3A_230[%dma_wait3A_225, %dma_wait3A_231, %dma_wait3A_232] : memref<2x200x64xf32, #tpu.memory_space<vmem>> -> memref<1x200x64xf32, #tpu.memory_space<vmem>>
      %dma_wait3A_234 = tpu.memref_squeeze %dma_wait3A_233 : memref<1x200x64xf32, #tpu.memory_space<vmem>> -> memref<200x64xf32, #tpu.memory_space<vmem>>
      %dma_wait3A_235 = arith.constant 0 : i32
      %dma_wait3A_236 = arith.constant 0 : i32
      %dma_wait3A_237 = tpu.memref_slice %dma_wait3A_234[%dma_wait3A_235, %dma_wait3A_236] : memref<200x64xf32, #tpu.memory_space<vmem>> -> memref<128x64xf32, #tpu.memory_space<vmem>>
      %dma_wait3A_238 = arith.constant 0 : i32
      %dma_wait3A_239 = arith.constant 0 : i32
      %dma_wait3A_240 = tpu.memref_slice %arg5[%dma_wait3A_222, %dma_wait3A_238, %dma_wait3A_239] : memref<2x2x200xi32, #tpu.memory_space<vmem>> -> memref<1x2x200xi32, #tpu.memory_space<vmem>>
      %dma_wait3A_241 = tpu.memref_squeeze %dma_wait3A_240 : memref<1x2x200xi32, #tpu.memory_space<vmem>> -> memref<2x200xi32, #tpu.memory_space<vmem>>
      %dma_wait3A_242 = arith.constant 0 : i32
      %dma_wait3A_243 = tpu.memref_slice %dma_wait3A_241[%dma_wait3A_223, %dma_wait3A_242] : memref<2x200xi32, #tpu.memory_space<vmem>> -> memref<1x128xi32, #tpu.memory_space<vmem>>
      %dma_wait3A_244 = tpu.memref_squeeze %dma_wait3A_243 : memref<1x128xi32, #tpu.memory_space<vmem>> -> memref<128xi32, #tpu.memory_space<vmem>>
      %dma_wait3A_245 = arith.constant 0 : i32
      %dma_wait3A_246 = arith.constant 0 : i32
      %dma_wait3A_247 = tpu.memref_slice %arg3[%dma_wait3A_245, %dma_wait3A_246] : memref<1000000x64xf32, #tpu.memory_space<hbm>> -> memref<1000000x64xf32, #tpu.memory_space<hbm>>
      tpu.wait_indirect_dma semaphore(%arg7 : memref<!tpu.dma_semaphore, #tpu.memory_space<semaphore_mem>>) src(%dma_wait3A_247 : memref<1000000x64xf32, #tpu.memory_space<hbm>>) dst(%dma_wait3A_237 : memref<128x64xf32, #tpu.memory_space<vmem>>)
      %dma_wait3A_248 = arith.constant 0 : i32
      %dma_wait3A_249 = arith.constant 1 : i32
      %dma_wait3A_250 = arith.constant 0 : i32
      %dma_wait3A_251 = arith.constant 1 : i32
      %dma_wait3A_252 = arith.constant 0 : i32
      %dma_wait3A_253 = arith.constant 0 : i32
      %dma_wait3A_254 = arith.constant 0 : i32
      %dma_wait3A_255 = tpu.memref_slice %arg6[%dma_wait3A_250, %dma_wait3A_252, %dma_wait3A_253, %dma_wait3A_254] : memref<2x2x200x64xf32, #tpu.memory_space<vmem>> -> memref<1x2x200x64xf32, #tpu.memory_space<vmem>>
      %dma_wait3A_256 = tpu.memref_squeeze %dma_wait3A_255 : memref<1x2x200x64xf32, #tpu.memory_space<vmem>> -> memref<2x200x64xf32, #tpu.memory_space<vmem>>
      %dma_wait3A_257 = arith.constant 0 : i32
      %dma_wait3A_258 = arith.constant 0 : i32
      %dma_wait3A_259 = tpu.memref_slice %dma_wait3A_256[%dma_wait3A_251, %dma_wait3A_257, %dma_wait3A_258] : memref<2x200x64xf32, #tpu.memory_space<vmem>> -> memref<1x200x64xf32, #tpu.memory_space<vmem>>
      %dma_wait3A_260 = tpu.memref_squeeze %dma_wait3A_259 : memref<1x200x64xf32, #tpu.memory_space<vmem>> -> memref<200x64xf32, #tpu.memory_space<vmem>>
      %dma_wait3A_261 = arith.constant 128 : i32
      %dma_wait3A_262 = arith.constant 0 : i32
      %dma_wait3A_263 = tpu.memref_slice %dma_wait3A_260[%dma_wait3A_261, %dma_wait3A_262] : memref<200x64xf32, #tpu.memory_space<vmem>> -> memref<72x64xf32, #tpu.memory_space<vmem>>
      %dma_wait3A_264 = arith.constant 0 : i32
      %dma_wait3A_265 = arith.constant 0 : i32
      %dma_wait3A_266 = tpu.memref_slice %arg5[%dma_wait3A_248, %dma_wait3A_264, %dma_wait3A_265] : memref<2x2x200xi32, #tpu.memory_space<vmem>> -> memref<1x2x200xi32, #tpu.memory_space<vmem>>
      %dma_wait3A_267 = tpu.memref_squeeze %dma_wait3A_266 : memref<1x2x200xi32, #tpu.memory_space<vmem>> -> memref<2x200xi32, #tpu.memory_space<vmem>>
      %dma_wait3A_268 = arith.constant 128 : i32
      %dma_wait3A_269 = tpu.memref_slice %dma_wait3A_267[%dma_wait3A_249, %dma_wait3A_268] : memref<2x200xi32, #tpu.memory_space<vmem>> -> memref<1x72xi32, #tpu.memory_space<vmem>>
      %dma_wait3A_270 = tpu.memref_squeeze %dma_wait3A_269 : memref<1x72xi32, #tpu.memory_space<vmem>> -> memref<72xi32, #tpu.memory_space<vmem>>
      %dma_wait3A_271 = arith.constant 0 : i32
      %dma_wait3A_272 = arith.constant 0 : i32
      %dma_wait3A_273 = tpu.memref_slice %arg3[%dma_wait3A_271, %dma_wait3A_272] : memref<1000000x64xf32, #tpu.memory_space<hbm>> -> memref<1000000x64xf32, #tpu.memory_space<hbm>>
      tpu.wait_indirect_dma semaphore(%arg7 : memref<!tpu.dma_semaphore, #tpu.memory_space<semaphore_mem>>) src(%dma_wait3A_273 : memref<1000000x64xf32, #tpu.memory_space<hbm>>) dst(%dma_wait3A_263 : memref<72x64xf32, #tpu.memory_space<vmem>>)
      %parallel_loop3A = arith.constant 0 : i32
      %parallel_loop3A_274 = arith.constant 200 : i32
      %parallel_loop3A_275 = arith.constant 1 : i32
      scf.for %parallel_loop3A_442 = %parallel_loop3A to %parallel_loop3A_274 step %parallel_loop3A_275  : i32 {
        %parallel_loop3A_443 = arith.constant 0 : i32
        %parallel_loop3A_444 = arith.constant 0 : i32
        %parallel_loop3A_445 = arith.index_cast %parallel_loop3A_443 : i32 to index
        %parallel_loop3A_446 = arith.index_cast %parallel_loop3A_444 : i32 to index
        %parallel_loop3A_447 = arith.index_cast %parallel_loop3A_442 : i32 to index
        %parallel_loop3A_448 = arith.constant 0 : index
        %parallel_loop3A_449 = tpu.vector_load %arg6[%parallel_loop3A_445, %parallel_loop3A_446, %parallel_loop3A_447, %parallel_loop3A_448] {strides = array<i32>} : memref<2x2x200x64xf32, #tpu.memory_space<vmem>>, vector<1x1x1x16xf32>,
        %parallel_loop3A_450 = vector.shape_cast %parallel_loop3A_449 : vector<1x1x1x16xf32> to vector<16xf32>
        %parallel_loop3A_451 = arith.constant 8.000000e+00 : f32
        %parallel_loop3A_452 = vector.broadcast %parallel_loop3A_451 : f32 to vector<16xf32>
        %parallel_loop3A_453 = arith.mulf %parallel_loop3A_450, %parallel_loop3A_452 : vector<16xf32>
        %parallel_loop3A_454 = arith.constant 0 : i32
        %parallel_loop3A_455 = arith.constant 0 : i32
        %parallel_loop3A_456 = arith.index_cast %parallel_loop3A_454 : i32 to index
        %parallel_loop3A_457 = arith.index_cast %parallel_loop3A_455 : i32 to index
        %parallel_loop3A_458 = arith.index_cast %parallel_loop3A_442 : i32 to index
        %parallel_loop3A_459 = arith.constant 0 : index
        %parallel_loop3A_460 = tpu.vector_load %arg6[%parallel_loop3A_456, %parallel_loop3A_457, %parallel_loop3A_458, %parallel_loop3A_459] {strides = array<i32>} : memref<2x2x200x64xf32, #tpu.memory_space<vmem>>, vector<1x1x1x16xf32>,
        %parallel_loop3A_461 = vector.shape_cast %parallel_loop3A_460 : vector<1x1x1x16xf32> to vector<16xf32>
        %parallel_loop3A_462 = vector.shape_cast %parallel_loop3A_453 : vector<16xf32> to vector<1x1x1x16xf32>
        tpu.vector_store %arg6[%parallel_loop3A_456, %parallel_loop3A_457, %parallel_loop3A_458, %parallel_loop3A_459], %parallel_loop3A_462 {strides = array<i32>} : memref<2x2x200x64xf32, #tpu.memory_space<vmem>>, vector<1x1x1x16xf32>,
        %parallel_loop3A_463 = arith.constant 0 : i32
        %parallel_loop3A_464 = arith.constant 0 : i32
        %parallel_loop3A_465 = arith.index_cast %parallel_loop3A_463 : i32 to index
        %parallel_loop3A_466 = arith.index_cast %parallel_loop3A_464 : i32 to index
        %parallel_loop3A_467 = arith.index_cast %parallel_loop3A_442 : i32 to index
        %parallel_loop3A_468 = arith.constant 16 : index
        %parallel_loop3A_469 = tpu.vector_load %arg6[%parallel_loop3A_465, %parallel_loop3A_466, %parallel_loop3A_467, %parallel_loop3A_468] {strides = array<i32>} : memref<2x2x200x64xf32, #tpu.memory_space<vmem>>, vector<1x1x1x16xf32>,
        %parallel_loop3A_470 = vector.shape_cast %parallel_loop3A_469 : vector<1x1x1x16xf32> to vector<16xf32>
        %parallel_loop3A_471 = arith.constant 8.000000e+00 : f32
        %parallel_loop3A_472 = vector.broadcast %parallel_loop3A_471 : f32 to vector<16xf32>
        %parallel_loop3A_473 = arith.mulf %parallel_loop3A_470, %parallel_loop3A_472 : vector<16xf32>
        %parallel_loop3A_474 = arith.constant 0 : i32
        %parallel_loop3A_475 = arith.constant 0 : i32
        %parallel_loop3A_476 = arith.index_cast %parallel_loop3A_474 : i32 to index
        %parallel_loop3A_477 = arith.index_cast %parallel_loop3A_475 : i32 to index
        %parallel_loop3A_478 = arith.index_cast %parallel_loop3A_442 : i32 to index
        %parallel_loop3A_479 = arith.constant 16 : index
        %parallel_loop3A_480 = tpu.vector_load %arg6[%parallel_loop3A_476, %parallel_loop3A_477, %parallel_loop3A_478, %parallel_loop3A_479] {strides = array<i32>} : memref<2x2x200x64xf32, #tpu.memory_space<vmem>>, vector<1x1x1x16xf32>,
        %parallel_loop3A_481 = vector.shape_cast %parallel_loop3A_480 : vector<1x1x1x16xf32> to vector<16xf32>
        %parallel_loop3A_482 = vector.shape_cast %parallel_loop3A_473 : vector<16xf32> to vector<1x1x1x16xf32>
        tpu.vector_store %arg6[%parallel_loop3A_476, %parallel_loop3A_477, %parallel_loop3A_478, %parallel_loop3A_479], %parallel_loop3A_482 {strides = array<i32>} : memref<2x2x200x64xf32, #tpu.memory_space<vmem>>, vector<1x1x1x16xf32>,
        %parallel_loop3A_483 = arith.constant 0 : i32
        %parallel_loop3A_484 = arith.constant 0 : i32
        %parallel_loop3A_485 = arith.index_cast %parallel_loop3A_483 : i32 to index
        %parallel_loop3A_486 = arith.index_cast %parallel_loop3A_484 : i32 to index
        %parallel_loop3A_487 = arith.index_cast %parallel_loop3A_442 : i32 to index
        %parallel_loop3A_488 = arith.constant 32 : index
        %parallel_loop3A_489 = tpu.vector_load %arg6[%parallel_loop3A_485, %parallel_loop3A_486, %parallel_loop3A_487, %parallel_loop3A_488] {strides = array<i32>} : memref<2x2x200x64xf32, #tpu.memory_space<vmem>>, vector<1x1x1x16xf32>,
        %parallel_loop3A_490 = vector.shape_cast %parallel_loop3A_489 : vector<1x1x1x16xf32> to vector<16xf32>
        %parallel_loop3A_491 = arith.constant 8.000000e+00 : f32
        %parallel_loop3A_492 = vector.broadcast %parallel_loop3A_491 : f32 to vector<16xf32>
        %parallel_loop3A_493 = arith.mulf %parallel_loop3A_490, %parallel_loop3A_492 : vector<16xf32>
        %parallel_loop3A_494 = arith.constant 0 : i32
        %parallel_loop3A_495 = arith.constant 0 : i32
        %parallel_loop3A_496 = arith.index_cast %parallel_loop3A_494 : i32 to index
        %parallel_loop3A_497 = arith.index_cast %parallel_loop3A_495 : i32 to index
        %parallel_loop3A_498 = arith.index_cast %parallel_loop3A_442 : i32 to index
        %parallel_loop3A_499 = arith.constant 32 : index
        %parallel_loop3A_500 = tpu.vector_load %arg6[%parallel_loop3A_496, %parallel_loop3A_497, %parallel_loop3A_498, %parallel_loop3A_499] {strides = array<i32>} : memref<2x2x200x64xf32, #tpu.memory_space<vmem>>, vector<1x1x1x16xf32>,
        %parallel_loop3A_501 = vector.shape_cast %parallel_loop3A_500 : vector<1x1x1x16xf32> to vector<16xf32>
        %parallel_loop3A_502 = vector.shape_cast %parallel_loop3A_493 : vector<16xf32> to vector<1x1x1x16xf32>
        tpu.vector_store %arg6[%parallel_loop3A_496, %parallel_loop3A_497, %parallel_loop3A_498, %parallel_loop3A_499], %parallel_loop3A_502 {strides = array<i32>} : memref<2x2x200x64xf32, #tpu.memory_space<vmem>>, vector<1x1x1x16xf32>,
        %parallel_loop3A_503 = arith.constant 0 : i32
        %parallel_loop3A_504 = arith.constant 0 : i32
        %parallel_loop3A_505 = arith.index_cast %parallel_loop3A_503 : i32 to index
        %parallel_loop3A_506 = arith.index_cast %parallel_loop3A_504 : i32 to index
        %parallel_loop3A_507 = arith.index_cast %parallel_loop3A_442 : i32 to index
        %parallel_loop3A_508 = arith.constant 48 : index
        %parallel_loop3A_509 = tpu.vector_load %arg6[%parallel_loop3A_505, %parallel_loop3A_506, %parallel_loop3A_507, %parallel_loop3A_508] {strides = array<i32>} : memref<2x2x200x64xf32, #tpu.memory_space<vmem>>, vector<1x1x1x16xf32>,
        %parallel_loop3A_510 = vector.shape_cast %parallel_loop3A_509 : vector<1x1x1x16xf32> to vector<16xf32>
        %parallel_loop3A_511 = arith.constant 8.000000e+00 : f32
        %parallel_loop3A_512 = vector.broadcast %parallel_loop3A_511 : f32 to vector<16xf32>
        %parallel_loop3A_513 = arith.mulf %parallel_loop3A_510, %parallel_loop3A_512 : vector<16xf32>
        %parallel_loop3A_514 = arith.constant 0 : i32
        %parallel_loop3A_515 = arith.constant 0 : i32
        %parallel_loop3A_516 = arith.index_cast %parallel_loop3A_514 : i32 to index
        %parallel_loop3A_517 = arith.index_cast %parallel_loop3A_515 : i32 to index
        %parallel_loop3A_518 = arith.index_cast %parallel_loop3A_442 : i32 to index
        %parallel_loop3A_519 = arith.constant 48 : index
        %parallel_loop3A_520 = tpu.vector_load %arg6[%parallel_loop3A_516, %parallel_loop3A_517, %parallel_loop3A_518, %parallel_loop3A_519] {strides = array<i32>} : memref<2x2x200x64xf32, #tpu.memory_space<vmem>>, vector<1x1x1x16xf32>,
        %parallel_loop3A_521 = vector.shape_cast %parallel_loop3A_520 : vector<1x1x1x16xf32> to vector<16xf32>
        %parallel_loop3A_522 = vector.shape_cast %parallel_loop3A_513 : vector<16xf32> to vector<1x1x1x16xf32>
        tpu.vector_store %arg6[%parallel_loop3A_516, %parallel_loop3A_517, %parallel_loop3A_518, %parallel_loop3A_519], %parallel_loop3A_522 {strides = array<i32>} : memref<2x2x200x64xf32, #tpu.memory_space<vmem>>, vector<1x1x1x16xf32>,
        %parallel_loop3A_523 = arith.constant 0 : i32
        %parallel_loop3A_524 = arith.constant 1 : i32
        %parallel_loop3A_525 = arith.index_cast %parallel_loop3A_523 : i32 to index
        %parallel_loop3A_526 = arith.index_cast %parallel_loop3A_524 : i32 to index
        %parallel_loop3A_527 = arith.index_cast %parallel_loop3A_442 : i32 to index
        %parallel_loop3A_528 = arith.constant 0 : index
        %parallel_loop3A_529 = tpu.vector_load %arg6[%parallel_loop3A_525, %parallel_loop3A_526, %parallel_loop3A_527, %parallel_loop3A_528] {strides = array<i32>} : memref<2x2x200x64xf32, #tpu.memory_space<vmem>>, vector<1x1x1x16xf32>,
        %parallel_loop3A_530 = vector.shape_cast %parallel_loop3A_529 : vector<1x1x1x16xf32> to vector<16xf32>
        %parallel_loop3A_531 = arith.constant 8.000000e+00 : f32
        %parallel_loop3A_532 = vector.broadcast %parallel_loop3A_531 : f32 to vector<16xf32>
        %parallel_loop3A_533 = arith.mulf %parallel_loop3A_530, %parallel_loop3A_532 : vector<16xf32>
        %parallel_loop3A_534 = arith.constant 0 : i32
        %parallel_loop3A_535 = arith.constant 1 : i32
        %parallel_loop3A_536 = arith.index_cast %parallel_loop3A_534 : i32 to index
        %parallel_loop3A_537 = arith.index_cast %parallel_loop3A_535 : i32 to index
        %parallel_loop3A_538 = arith.index_cast %parallel_loop3A_442 : i32 to index
        %parallel_loop3A_539 = arith.constant 0 : index
        %parallel_loop3A_540 = tpu.vector_load %arg6[%parallel_loop3A_536, %parallel_loop3A_537, %parallel_loop3A_538, %parallel_loop3A_539] {strides = array<i32>} : memref<2x2x200x64xf32, #tpu.memory_space<vmem>>, vector<1x1x1x16xf32>,
        %parallel_loop3A_541 = vector.shape_cast %parallel_loop3A_540 : vector<1x1x1x16xf32> to vector<16xf32>
        %parallel_loop3A_542 = vector.shape_cast %parallel_loop3A_533 : vector<16xf32> to vector<1x1x1x16xf32>
        tpu.vector_store %arg6[%parallel_loop3A_536, %parallel_loop3A_537, %parallel_loop3A_538, %parallel_loop3A_539], %parallel_loop3A_542 {strides = array<i32>} : memref<2x2x200x64xf32, #tpu.memory_space<vmem>>, vector<1x1x1x16xf32>,
        %parallel_loop3A_543 = arith.constant 0 : i32
        %parallel_loop3A_544 = arith.constant 1 : i32
        %parallel_loop3A_545 = arith.index_cast %parallel_loop3A_543 : i32 to index
        %parallel_loop3A_546 = arith.index_cast %parallel_loop3A_544 : i32 to index
        %parallel_loop3A_547 = arith.index_cast %parallel_loop3A_442 : i32 to index
        %parallel_loop3A_548 = arith.constant 16 : index
        %parallel_loop3A_549 = tpu.vector_load %arg6[%parallel_loop3A_545, %parallel_loop3A_546, %parallel_loop3A_547, %parallel_loop3A_548] {strides = array<i32>} : memref<2x2x200x64xf32, #tpu.memory_space<vmem>>, vector<1x1x1x16xf32>,
        %parallel_loop3A_550 = vector.shape_cast %parallel_loop3A_549 : vector<1x1x1x16xf32> to vector<16xf32>
        %parallel_loop3A_551 = arith.constant 8.000000e+00 : f32
        %parallel_loop3A_552 = vector.broadcast %parallel_loop3A_551 : f32 to vector<16xf32>
        %parallel_loop3A_553 = arith.mulf %parallel_loop3A_550, %parallel_loop3A_552 : vector<16xf32>
        %parallel_loop3A_554 = arith.constant 0 : i32
        %parallel_loop3A_555 = arith.constant 1 : i32
        %parallel_loop3A_556 = arith.index_cast %parallel_loop3A_554 : i32 to index
        %parallel_loop3A_557 = arith.index_cast %parallel_loop3A_555 : i32 to index
        %parallel_loop3A_558 = arith.index_cast %parallel_loop3A_442 : i32 to index
        %parallel_loop3A_559 = arith.constant 16 : index
        %parallel_loop3A_560 = tpu.vector_load %arg6[%parallel_loop3A_556, %parallel_loop3A_557, %parallel_loop3A_558, %parallel_loop3A_559] {strides = array<i32>} : memref<2x2x200x64xf32, #tpu.memory_space<vmem>>, vector<1x1x1x16xf32>,
        %parallel_loop3A_561 = vector.shape_cast %parallel_loop3A_560 : vector<1x1x1x16xf32> to vector<16xf32>
        %parallel_loop3A_562 = vector.shape_cast %parallel_loop3A_553 : vector<16xf32> to vector<1x1x1x16xf32>
        tpu.vector_store %arg6[%parallel_loop3A_556, %parallel_loop3A_557, %parallel_loop3A_558, %parallel_loop3A_559], %parallel_loop3A_562 {strides = array<i32>} : memref<2x2x200x64xf32, #tpu.memory_space<vmem>>, vector<1x1x1x16xf32>,
        %parallel_loop3A_563 = arith.constant 0 : i32
        %parallel_loop3A_564 = arith.constant 1 : i32
        %parallel_loop3A_565 = arith.index_cast %parallel_loop3A_563 : i32 to index
        %parallel_loop3A_566 = arith.index_cast %parallel_loop3A_564 : i32 to index
        %parallel_loop3A_567 = arith.index_cast %parallel_loop3A_442 : i32 to index
        %parallel_loop3A_568 = arith.constant 32 : index
        %parallel_loop3A_569 = tpu.vector_load %arg6[%parallel_loop3A_565, %parallel_loop3A_566, %parallel_loop3A_567, %parallel_loop3A_568] {strides = array<i32>} : memref<2x2x200x64xf32, #tpu.memory_space<vmem>>, vector<1x1x1x16xf32>,
        %parallel_loop3A_570 = vector.shape_cast %parallel_loop3A_569 : vector<1x1x1x16xf32> to vector<16xf32>
        %parallel_loop3A_571 = arith.constant 8.000000e+00 : f32
        %parallel_loop3A_572 = vector.broadcast %parallel_loop3A_571 : f32 to vector<16xf32>
        %parallel_loop3A_573 = arith.mulf %parallel_loop3A_570, %parallel_loop3A_572 : vector<16xf32>
        %parallel_loop3A_574 = arith.constant 0 : i32
        %parallel_loop3A_575 = arith.constant 1 : i32
        %parallel_loop3A_576 = arith.index_cast %parallel_loop3A_574 : i32 to index
        %parallel_loop3A_577 = arith.index_cast %parallel_loop3A_575 : i32 to index
        %parallel_loop3A_578 = arith.index_cast %parallel_loop3A_442 : i32 to index
        %parallel_loop3A_579 = arith.constant 32 : index
        %parallel_loop3A_580 = tpu.vector_load %arg6[%parallel_loop3A_576, %parallel_loop3A_577, %parallel_loop3A_578, %parallel_loop3A_579] {strides = array<i32>} : memref<2x2x200x64xf32, #tpu.memory_space<vmem>>, vector<1x1x1x16xf32>,
        %parallel_loop3A_581 = vector.shape_cast %parallel_loop3A_580 : vector<1x1x1x16xf32> to vector<16xf32>
        %parallel_loop3A_582 = vector.shape_cast %parallel_loop3A_573 : vector<16xf32> to vector<1x1x1x16xf32>
        tpu.vector_store %arg6[%parallel_loop3A_576, %parallel_loop3A_577, %parallel_loop3A_578, %parallel_loop3A_579], %parallel_loop3A_582 {strides = array<i32>} : memref<2x2x200x64xf32, #tpu.memory_space<vmem>>, vector<1x1x1x16xf32>,
        %parallel_loop3A_583 = arith.constant 0 : i32
        %parallel_loop3A_584 = arith.constant 1 : i32
        %parallel_loop3A_585 = arith.index_cast %parallel_loop3A_583 : i32 to index
        %parallel_loop3A_586 = arith.index_cast %parallel_loop3A_584 : i32 to index
        %parallel_loop3A_587 = arith.index_cast %parallel_loop3A_442 : i32 to index
        %parallel_loop3A_588 = arith.constant 48 : index
        %parallel_loop3A_589 = tpu.vector_load %arg6[%parallel_loop3A_585, %parallel_loop3A_586, %parallel_loop3A_587, %parallel_loop3A_588] {strides = array<i32>} : memref<2x2x200x64xf32, #tpu.memory_space<vmem>>, vector<1x1x1x16xf32>,
        %parallel_loop3A_590 = vector.shape_cast %parallel_loop3A_589 : vector<1x1x1x16xf32> to vector<16xf32>
        %parallel_loop3A_591 = arith.constant 8.000000e+00 : f32
        %parallel_loop3A_592 = vector.broadcast %parallel_loop3A_591 : f32 to vector<16xf32>
        %parallel_loop3A_593 = arith.mulf %parallel_loop3A_590, %parallel_loop3A_592 : vector<16xf32>
        %parallel_loop3A_594 = arith.constant 0 : i32
        %parallel_loop3A_595 = arith.constant 1 : i32
        %parallel_loop3A_596 = arith.index_cast %parallel_loop3A_594 : i32 to index
        %parallel_loop3A_597 = arith.index_cast %parallel_loop3A_595 : i32 to index
        %parallel_loop3A_598 = arith.index_cast %parallel_loop3A_442 : i32 to index
        %parallel_loop3A_599 = arith.constant 48 : index
        %parallel_loop3A_600 = tpu.vector_load %arg6[%parallel_loop3A_596, %parallel_loop3A_597, %parallel_loop3A_598, %parallel_loop3A_599] {strides = array<i32>} : memref<2x2x200x64xf32, #tpu.memory_space<vmem>>, vector<1x1x1x16xf32>,
        %parallel_loop3A_601 = vector.shape_cast %parallel_loop3A_600 : vector<1x1x1x16xf32> to vector<16xf32>
        %parallel_loop3A_602 = vector.shape_cast %parallel_loop3A_593 : vector<16xf32> to vector<1x1x1x16xf32>
        tpu.vector_store %arg6[%parallel_loop3A_596, %parallel_loop3A_597, %parallel_loop3A_598, %parallel_loop3A_599], %parallel_loop3A_602 {strides = array<i32>} : memref<2x2x200x64xf32, #tpu.memory_space<vmem>>, vector<1x1x1x16xf32>,
      } {sc.loop_unroll_factor = 8 : i64, sc.parallel_access}
      %add3A_276 = arith.addi %mul3A_2, %add3A_159 : i32
      %mul3A_277 = arith.constant 2 : i32
      %mul3A_278 = arith.muli %add3A_276, %mul3A_277 : i32
      %dma_start3A_279 = arith.constant 0 : i32
      %dma_start3A_280 = arith.constant 0 : i32
      %dma_start3A_281 = arith.constant 0 : i32
      %dma_start3A_282 = arith.constant 0 : i32
      %dma_start3A_283 = tpu.memref_slice %arg6[%dma_start3A_279, %dma_start3A_280, %dma_start3A_281, %dma_start3A_282] : memref<2x2x200x64xf32, #tpu.memory_space<vmem>> -> memref<1x2x200x64xf32, #tpu.memory_space<vmem>>
      %dma_start3A_284 = tpu.memref_squeeze %dma_start3A_283 : memref<1x2x200x64xf32, #tpu.memory_space<vmem>> -> memref<2x200x64xf32, #tpu.memory_space<vmem>>
      %dma_start3A_285 = arith.constant 0 : i32
      %dma_start3A_286 = arith.constant 0 : i32
      %dma_start3A_287 = tpu.memref_slice %arg4[%mul3A_278, %dma_start3A_285, %dma_start3A_286] : memref<4096x200x64xf32, #tpu.memory_space<hbm>> -> memref<2x200x64xf32, #tpu.memory_space<hbm>>
      %dma_start3A_288 = arith.constant 0 : i32
      %dma_start3A_289 = arith.constant 0 : i32
      %dma_start3A_290 = tpu.memref_slice %arg4[%mul3A_278, %dma_start3A_288, %dma_start3A_289] : memref<4096x200x64xf32, #tpu.memory_space<hbm>> -> memref<2x200x64xf32, #tpu.memory_space<hbm>>
      %dma_start3A_291 = arith.constant 0 : i32
      %dma_start3A_292 = arith.constant 0 : i32
      %dma_start3A_293 = arith.constant 0 : i32
      %dma_start3A_294 = tpu.memref_slice %arg6[%dma_start3A_279, %dma_start3A_291, %dma_start3A_292, %dma_start3A_293] : memref<2x2x200x64xf32, #tpu.memory_space<vmem>> -> memref<1x2x200x64xf32, #tpu.memory_space<vmem>>
      %dma_start3A_295 = tpu.memref_squeeze %dma_start3A_294 : memref<1x2x200x64xf32, #tpu.memory_space<vmem>> -> memref<2x200x64xf32, #tpu.memory_space<vmem>>
      tpu.enqueue_dma source(%dma_start3A_295 : memref<2x200x64xf32, #tpu.memory_space<vmem>>) target(%dma_start3A_290 : memref<2x200x64xf32, #tpu.memory_space<hbm>>) target_semaphore(%arg9 : memref<!tpu.dma_semaphore, #tpu.memory_space<semaphore_mem>>)
      %mul3A_296 = arith.constant 2 : i32
      %mul3A_297 = arith.muli %scan3A_155, %mul3A_296 : i32
      %add3A_298 = arith.constant 1 : i32
      %add3A_299 = arith.addi %mul3A_297, %add3A_298 : i32
      %add3A_300 = arith.constant 1 : i32
      %add3A_301 = arith.addi %add3A_299, %add3A_300 : i32
      %ge3A_302 = arith.constant 2 : i32
      %ge3A_303 = arith.cmpi sge, %add3A_301, %ge3A_302 : i32
      %lt3A_304 = arith.constant 64 : i32
      %lt3A_305 = arith.cmpi slt, %add3A_301, %lt3A_304 : i32
      %and3A_306 = arith.andi %ge3A_303, %lt3A_305 : i1
      %convert_element_type3A_307 = arith.extui %and3A_306 : i1 to i32
      %cond3A_308 = arith.constant 0 : i32
      %cond3A_309 = arith.cmpi ne, %convert_element_type3A_307, %cond3A_308 : i32
      scf.if %cond3A_309 {
        %sub3A = arith.constant 2 : i32
        %sub3A_442 = arith.subi %add3A_301, %sub3A : i32
        %add3A_443 = arith.addi %mul3A_2, %sub3A_442 : i32
        %mul3A_444 = arith.constant 2 : i32
        %mul3A_445 = arith.muli %add3A_443, %mul3A_444 : i32
        %dma_wait3A_446 = arith.constant 0 : i32
        %dma_wait3A_447 = arith.constant 0 : i32
        %dma_wait3A_448 = arith.constant 0 : i32
        %dma_wait3A_449 = arith.constant 0 : i32
        %dma_wait3A_450 = tpu.memref_slice %arg6[%dma_wait3A_446, %dma_wait3A_447, %dma_wait3A_448, %dma_wait3A_449] : memref<2x2x200x64xf32, #tpu.memory_space<vmem>> -> memref<1x2x200x64xf32, #tpu.memory_space<vmem>>
        %dma_wait3A_451 = tpu.memref_squeeze %dma_wait3A_450 : memref<1x2x200x64xf32, #tpu.memory_space<vmem>> -> memref<2x200x64xf32, #tpu.memory_space<vmem>>
        %dma_wait3A_452 = arith.constant 0 : i32
        %dma_wait3A_453 = arith.constant 0 : i32
        %dma_wait3A_454 = tpu.memref_slice %arg4[%mul3A_445, %dma_wait3A_452, %dma_wait3A_453] : memref<4096x200x64xf32, #tpu.memory_space<hbm>> -> memref<2x200x64xf32, #tpu.memory_space<hbm>>
        %dma_wait3A_455 = arith.constant 0 : i32
        %dma_wait3A_456 = arith.constant 0 : i32
        %dma_wait3A_457 = tpu.memref_slice %arg4[%mul3A_445, %dma_wait3A_455, %dma_wait3A_456] : memref<4096x200x64xf32, #tpu.memory_space<hbm>> -> memref<2x200x64xf32, #tpu.memory_space<hbm>>
        %dma_wait3A_458 = arith.constant 0 : i32
        %dma_wait3A_459 = arith.constant 0 : i32
        %dma_wait3A_460 = arith.constant 0 : i32
        %dma_wait3A_461 = tpu.memref_slice %arg6[%dma_wait3A_446, %dma_wait3A_458, %dma_wait3A_459, %dma_wait3A_460] : memref<2x2x200x64xf32, #tpu.memory_space<vmem>> -> memref<1x2x200x64xf32, #tpu.memory_space<vmem>>
        %dma_wait3A_462 = tpu.memref_squeeze %dma_wait3A_461 : memref<1x2x200x64xf32, #tpu.memory_space<vmem>> -> memref<2x200x64xf32, #tpu.memory_space<vmem>>
        tpu.wait_dma2 semaphore(%arg9 : memref<!tpu.dma_semaphore, #tpu.memory_space<semaphore_mem>>) src(%dma_wait3A_462 : memref<2x200x64xf32, #tpu.memory_space<vmem>>) dst(%dma_wait3A_457 : memref<2x200x64xf32, #tpu.memory_space<hbm>>)
      } else {
      }
      %lt3A_310 = arith.constant 64 : i32
      %lt3A_311 = arith.cmpi slt, %add3A_301, %lt3A_310 : i32
      %convert_element_type3A_312 = arith.extui %lt3A_311 : i1 to i32
      %cond3A_313 = arith.constant 0 : i32
      %cond3A_314 = arith.cmpi ne, %convert_element_type3A_312, %cond3A_313 : i32
      scf.if %cond3A_314 {
        %add3A_442 = arith.addi %mul3A_2, %add3A_301 : i32
        %mul3A_443 = arith.constant 2 : i32
        %mul3A_444 = arith.muli %add3A_442, %mul3A_443 : i32
        %run_scoped3A_445 = arith.constant 0 : i32
        "tpu.region"() ({
          %run_scoped3A_550 = tpu.sem_alloc : memref<!tpu.dma_semaphore, #tpu.memory_space<semaphore_mem>>
          %dma_start3A_551 = arith.constant 0 : i32
          %dma_start3A_552 = arith.constant 0 : i32
          %dma_start3A_553 = tpu.memref_slice %arg5[%run_scoped3A_445, %dma_start3A_551, %dma_start3A_552] : memref<2x2x200xi32, #tpu.memory_space<vmem>> -> memref<1x2x200xi32, #tpu.memory_space<vmem>>
          %dma_start3A_554 = tpu.memref_squeeze %dma_start3A_553 : memref<1x2x200xi32, #tpu.memory_space<vmem>> -> memref<2x200xi32, #tpu.memory_space<vmem>>
          %dma_start3A_555 = arith.constant 0 : i32
          %dma_start3A_556 = tpu.memref_slice %arg2[%mul3A_444, %dma_start3A_555] : memref<4096x200xi32, #tpu.memory_space<hbm>> -> memref<2x200xi32, #tpu.memory_space<hbm>>
          %dma_start3A_557 = arith.constant 0 : i32
          %dma_start3A_558 = arith.constant 0 : i32
          %dma_start3A_559 = tpu.memref_slice %arg5[%run_scoped3A_445, %dma_start3A_557, %dma_start3A_558] : memref<2x2x200xi32, #tpu.memory_space<vmem>> -> memref<1x2x200xi32, #tpu.memory_space<vmem>>
          %dma_start3A_560 = tpu.memref_squeeze %dma_start3A_559 : memref<1x2x200xi32, #tpu.memory_space<vmem>> -> memref<2x200xi32, #tpu.memory_space<vmem>>
          %dma_start3A_561 = arith.constant 0 : i32
          %dma_start3A_562 = tpu.memref_slice %arg2[%mul3A_444, %dma_start3A_561] : memref<4096x200xi32, #tpu.memory_space<hbm>> -> memref<2x200xi32, #tpu.memory_space<hbm>>
          tpu.enqueue_dma source(%dma_start3A_562 : memref<2x200xi32, #tpu.memory_space<hbm>>) target(%dma_start3A_560 : memref<2x200xi32, #tpu.memory_space<vmem>>) target_semaphore(%run_scoped3A_550 : memref<!tpu.dma_semaphore, #tpu.memory_space<semaphore_mem>>)
          %dma_wait3A_563 = arith.constant 0 : i32
          %dma_wait3A_564 = arith.constant 0 : i32
          %dma_wait3A_565 = tpu.memref_slice %arg5[%run_scoped3A_445, %dma_wait3A_563, %dma_wait3A_564] : memref<2x2x200xi32, #tpu.memory_space<vmem>> -> memref<1x2x200xi32, #tpu.memory_space<vmem>>
          %dma_wait3A_566 = tpu.memref_squeeze %dma_wait3A_565 : memref<1x2x200xi32, #tpu.memory_space<vmem>> -> memref<2x200xi32, #tpu.memory_space<vmem>>
          %dma_wait3A_567 = arith.constant 0 : i32
          %dma_wait3A_568 = tpu.memref_slice %arg2[%mul3A_444, %dma_wait3A_567] : memref<4096x200xi32, #tpu.memory_space<hbm>> -> memref<2x200xi32, #tpu.memory_space<hbm>>
          %dma_wait3A_569 = arith.constant 0 : i32
          %dma_wait3A_570 = arith.constant 0 : i32
          %dma_wait3A_571 = tpu.memref_slice %arg5[%run_scoped3A_445, %dma_wait3A_569, %dma_wait3A_570] : memref<2x2x200xi32, #tpu.memory_space<vmem>> -> memref<1x2x200xi32, #tpu.memory_space<vmem>>
          %dma_wait3A_572 = tpu.memref_squeeze %dma_wait3A_571 : memref<1x2x200xi32, #tpu.memory_space<vmem>> -> memref<2x200xi32, #tpu.memory_space<vmem>>
          %dma_wait3A_573 = arith.constant 0 : i32
          %dma_wait3A_574 = tpu.memref_slice %arg2[%mul3A_444, %dma_wait3A_573] : memref<4096x200xi32, #tpu.memory_space<hbm>> -> memref<2x200xi32, #tpu.memory_space<hbm>>
          tpu.wait_dma2 semaphore(%run_scoped3A_550 : memref<!tpu.dma_semaphore, #tpu.memory_space<semaphore_mem>>) src(%dma_wait3A_574 : memref<2x200xi32, #tpu.memory_space<hbm>>) dst(%dma_wait3A_572 : memref<2x200xi32, #tpu.memory_space<vmem>>)
          tpu.yield
        }) : () -> ()
        %dma_start3A_446 = arith.constant 0 : i32
        %dma_start3A_447 = arith.constant 0 : i32
        %dma_start3A_448 = arith.constant 0 : i32
        %dma_start3A_449 = arith.constant 0 : i32
        %dma_start3A_450 = arith.constant 0 : i32
        %dma_start3A_451 = arith.constant 0 : i32
        %dma_start3A_452 = arith.constant 0 : i32
        %dma_start3A_453 = tpu.memref_slice %arg6[%dma_start3A_448, %dma_start3A_450, %dma_start3A_451, %dma_start3A_452] : memref<2x2x200x64xf32, #tpu.memory_space<vmem>> -> memref<1x2x200x64xf32, #tpu.memory_space<vmem>>
        %dma_start3A_454 = tpu.memref_squeeze %dma_start3A_453 : memref<1x2x200x64xf32, #tpu.memory_space<vmem>> -> memref<2x200x64xf32, #tpu.memory_space<vmem>>
        %dma_start3A_455 = arith.constant 0 : i32
        %dma_start3A_456 = arith.constant 0 : i32
        %dma_start3A_457 = tpu.memref_slice %dma_start3A_454[%dma_start3A_449, %dma_start3A_455, %dma_start3A_456] : memref<2x200x64xf32, #tpu.memory_space<vmem>> -> memref<1x200x64xf32, #tpu.memory_space<vmem>>
        %dma_start3A_458 = tpu.memref_squeeze %dma_start3A_457 : memref<1x200x64xf32, #tpu.memory_space<vmem>> -> memref<200x64xf32, #tpu.memory_space<vmem>>
        %dma_start3A_459 = arith.constant 0 : i32
        %dma_start3A_460 = arith.constant 0 : i32
        %dma_start3A_461 = tpu.memref_slice %dma_start3A_458[%dma_start3A_459, %dma_start3A_460] : memref<200x64xf32, #tpu.memory_space<vmem>> -> memref<128x64xf32, #tpu.memory_space<vmem>>
        %dma_start3A_462 = arith.constant 0 : i32
        %dma_start3A_463 = arith.constant 0 : i32
        %dma_start3A_464 = tpu.memref_slice %arg5[%dma_start3A_446, %dma_start3A_462, %dma_start3A_463] : memref<2x2x200xi32, #tpu.memory_space<vmem>> -> memref<1x2x200xi32, #tpu.memory_space<vmem>>
        %dma_start3A_465 = tpu.memref_squeeze %dma_start3A_464 : memref<1x2x200xi32, #tpu.memory_space<vmem>> -> memref<2x200xi32, #tpu.memory_space<vmem>>
        %dma_start3A_466 = arith.constant 0 : i32
        %dma_start3A_467 = tpu.memref_slice %dma_start3A_465[%dma_start3A_447, %dma_start3A_466] : memref<2x200xi32, #tpu.memory_space<vmem>> -> memref<1x128xi32, #tpu.memory_space<vmem>>
        %dma_start3A_468 = tpu.memref_squeeze %dma_start3A_467 : memref<1x128xi32, #tpu.memory_space<vmem>> -> memref<128xi32, #tpu.memory_space<vmem>>
        %dma_start3A_469 = arith.constant 0 : i32
        %dma_start3A_470 = arith.constant 0 : i32
        %dma_start3A_471 = tpu.memref_slice %arg3[%dma_start3A_469, %dma_start3A_470] : memref<1000000x64xf32, #tpu.memory_space<hbm>> -> memref<1000000x64xf32, #tpu.memory_space<hbm>>
        tpu.enqueue_indirect_dma source(%dma_start3A_471 : memref<1000000x64xf32, #tpu.memory_space<hbm>>) target(%dma_start3A_461 : memref<128x64xf32, #tpu.memory_space<vmem>>) offsets(%dma_start3A_468 : memref<128xi32, #tpu.memory_space<vmem>>) semaphore(%arg7 : memref<!tpu.dma_semaphore, #tpu.memory_space<semaphore_mem>>)
        %dma_start3A_472 = arith.constant 0 : i32
        %dma_start3A_473 = arith.constant 0 : i32
        %dma_start3A_474 = arith.constant 0 : i32
        %dma_start3A_475 = arith.constant 0 : i32
        %dma_start3A_476 = arith.constant 0 : i32
        %dma_start3A_477 = arith.constant 0 : i32
        %dma_start3A_478 = arith.constant 0 : i32
        %dma_start3A_479 = tpu.memref_slice %arg6[%dma_start3A_474, %dma_start3A_476, %dma_start3A_477, %dma_start3A_478] : memref<2x2x200x64xf32, #tpu.memory_space<vmem>> -> memref<1x2x200x64xf32, #tpu.memory_space<vmem>>
        %dma_start3A_480 = tpu.memref_squeeze %dma_start3A_479 : memref<1x2x200x64xf32, #tpu.memory_space<vmem>> -> memref<2x200x64xf32, #tpu.memory_space<vmem>>
        %dma_start3A_481 = arith.constant 0 : i32
        %dma_start3A_482 = arith.constant 0 : i32
        %dma_start3A_483 = tpu.memref_slice %dma_start3A_480[%dma_start3A_475, %dma_start3A_481, %dma_start3A_482] : memref<2x200x64xf32, #tpu.memory_space<vmem>> -> memref<1x200x64xf32, #tpu.memory_space<vmem>>
        %dma_start3A_484 = tpu.memref_squeeze %dma_start3A_483 : memref<1x200x64xf32, #tpu.memory_space<vmem>> -> memref<200x64xf32, #tpu.memory_space<vmem>>
        %dma_start3A_485 = arith.constant 128 : i32
        %dma_start3A_486 = arith.constant 0 : i32
        %dma_start3A_487 = tpu.memref_slice %dma_start3A_484[%dma_start3A_485, %dma_start3A_486] : memref<200x64xf32, #tpu.memory_space<vmem>> -> memref<72x64xf32, #tpu.memory_space<vmem>>
        %dma_start3A_488 = arith.constant 0 : i32
        %dma_start3A_489 = arith.constant 0 : i32
        %dma_start3A_490 = tpu.memref_slice %arg5[%dma_start3A_472, %dma_start3A_488, %dma_start3A_489] : memref<2x2x200xi32, #tpu.memory_space<vmem>> -> memref<1x2x200xi32, #tpu.memory_space<vmem>>
        %dma_start3A_491 = tpu.memref_squeeze %dma_start3A_490 : memref<1x2x200xi32, #tpu.memory_space<vmem>> -> memref<2x200xi32, #tpu.memory_space<vmem>>
        %dma_start3A_492 = arith.constant 128 : i32
        %dma_start3A_493 = tpu.memref_slice %dma_start3A_491[%dma_start3A_473, %dma_start3A_492] : memref<2x200xi32, #tpu.memory_space<vmem>> -> memref<1x72xi32, #tpu.memory_space<vmem>>
        %dma_start3A_494 = tpu.memref_squeeze %dma_start3A_493 : memref<1x72xi32, #tpu.memory_space<vmem>> -> memref<72xi32, #tpu.memory_space<vmem>>
        %dma_start3A_495 = arith.constant 0 : i32
        %dma_start3A_496 = arith.constant 0 : i32
        %dma_start3A_497 = tpu.memref_slice %arg3[%dma_start3A_495, %dma_start3A_496] : memref<1000000x64xf32, #tpu.memory_space<hbm>> -> memref<1000000x64xf32, #tpu.memory_space<hbm>>
        tpu.enqueue_indirect_dma source(%dma_start3A_497 : memref<1000000x64xf32, #tpu.memory_space<hbm>>) target(%dma_start3A_487 : memref<72x64xf32, #tpu.memory_space<vmem>>) offsets(%dma_start3A_494 : memref<72xi32, #tpu.memory_space<vmem>>) semaphore(%arg7 : memref<!tpu.dma_semaphore, #tpu.memory_space<semaphore_mem>>)
        %dma_start3A_498 = arith.constant 0 : i32
        %dma_start3A_499 = arith.constant 1 : i32
        %dma_start3A_500 = arith.constant 0 : i32
        %dma_start3A_501 = arith.constant 1 : i32
        %dma_start3A_502 = arith.constant 0 : i32
        %dma_start3A_503 = arith.constant 0 : i32
        %dma_start3A_504 = arith.constant 0 : i32
        %dma_start3A_505 = tpu.memref_slice %arg6[%dma_start3A_500, %dma_start3A_502, %dma_start3A_503, %dma_start3A_504] : memref<2x2x200x64xf32, #tpu.memory_space<vmem>> -> memref<1x2x200x64xf32, #tpu.memory_space<vmem>>
        %dma_start3A_506 = tpu.memref_squeeze %dma_start3A_505 : memref<1x2x200x64xf32, #tpu.memory_space<vmem>> -> memref<2x200x64xf32, #tpu.memory_space<vmem>>
        %dma_start3A_507 = arith.constant 0 : i32
        %dma_start3A_508 = arith.constant 0 : i32
        %dma_start3A_509 = tpu.memref_slice %dma_start3A_506[%dma_start3A_501, %dma_start3A_507, %dma_start3A_508] : memref<2x200x64xf32, #tpu.memory_space<vmem>> -> memref<1x200x64xf32, #tpu.memory_space<vmem>>
        %dma_start3A_510 = tpu.memref_squeeze %dma_start3A_509 : memref<1x200x64xf32, #tpu.memory_space<vmem>> -> memref<200x64xf32, #tpu.memory_space<vmem>>
        %dma_start3A_511 = arith.constant 0 : i32
        %dma_start3A_512 = arith.constant 0 : i32
        %dma_start3A_513 = tpu.memref_slice %dma_start3A_510[%dma_start3A_511, %dma_start3A_512] : memref<200x64xf32, #tpu.memory_space<vmem>> -> memref<128x64xf32, #tpu.memory_space<vmem>>
        %dma_start3A_514 = arith.constant 0 : i32
        %dma_start3A_515 = arith.constant 0 : i32
        %dma_start3A_516 = tpu.memref_slice %arg5[%dma_start3A_498, %dma_start3A_514, %dma_start3A_515] : memref<2x2x200xi32, #tpu.memory_space<vmem>> -> memref<1x2x200xi32, #tpu.memory_space<vmem>>
        %dma_start3A_517 = tpu.memref_squeeze %dma_start3A_516 : memref<1x2x200xi32, #tpu.memory_space<vmem>> -> memref<2x200xi32, #tpu.memory_space<vmem>>
        %dma_start3A_518 = arith.constant 0 : i32
        %dma_start3A_519 = tpu.memref_slice %dma_start3A_517[%dma_start3A_499, %dma_start3A_518] : memref<2x200xi32, #tpu.memory_space<vmem>> -> memref<1x128xi32, #tpu.memory_space<vmem>>
        %dma_start3A_520 = tpu.memref_squeeze %dma_start3A_519 : memref<1x128xi32, #tpu.memory_space<vmem>> -> memref<128xi32, #tpu.memory_space<vmem>>
        %dma_start3A_521 = arith.constant 0 : i32
        %dma_start3A_522 = arith.constant 0 : i32
        %dma_start3A_523 = tpu.memref_slice %arg3[%dma_start3A_521, %dma_start3A_522] : memref<1000000x64xf32, #tpu.memory_space<hbm>> -> memref<1000000x64xf32, #tpu.memory_space<hbm>>
        tpu.enqueue_indirect_dma source(%dma_start3A_523 : memref<1000000x64xf32, #tpu.memory_space<hbm>>) target(%dma_start3A_513 : memref<128x64xf32, #tpu.memory_space<vmem>>) offsets(%dma_start3A_520 : memref<128xi32, #tpu.memory_space<vmem>>) semaphore(%arg7 : memref<!tpu.dma_semaphore, #tpu.memory_space<semaphore_mem>>)
        %dma_start3A_524 = arith.constant 0 : i32
        %dma_start3A_525 = arith.constant 1 : i32
        %dma_start3A_526 = arith.constant 0 : i32
        %dma_start3A_527 = arith.constant 1 : i32
        %dma_start3A_528 = arith.constant 0 : i32
        %dma_start3A_529 = arith.constant 0 : i32
        %dma_start3A_530 = arith.constant 0 : i32
        %dma_start3A_531 = tpu.memref_slice %arg6[%dma_start3A_526, %dma_start3A_528, %dma_start3A_529, %dma_start3A_530] : memref<2x2x200x64xf32, #tpu.memory_space<vmem>> -> memref<1x2x200x64xf32, #tpu.memory_space<vmem>>
        %dma_start3A_532 = tpu.memref_squeeze %dma_start3A_531 : memref<1x2x200x64xf32, #tpu.memory_space<vmem>> -> memref<2x200x64xf32, #tpu.memory_space<vmem>>
        %dma_start3A_533 = arith.constant 0 : i32
        %dma_start3A_534 = arith.constant 0 : i32
        %dma_start3A_535 = tpu.memref_slice %dma_start3A_532[%dma_start3A_527, %dma_start3A_533, %dma_start3A_534] : memref<2x200x64xf32, #tpu.memory_space<vmem>> -> memref<1x200x64xf32, #tpu.memory_space<vmem>>
        %dma_start3A_536 = tpu.memref_squeeze %dma_start3A_535 : memref<1x200x64xf32, #tpu.memory_space<vmem>> -> memref<200x64xf32, #tpu.memory_space<vmem>>
        %dma_start3A_537 = arith.constant 128 : i32
        %dma_start3A_538 = arith.constant 0 : i32
        %dma_start3A_539 = tpu.memref_slice %dma_start3A_536[%dma_start3A_537, %dma_start3A_538] : memref<200x64xf32, #tpu.memory_space<vmem>> -> memref<72x64xf32, #tpu.memory_space<vmem>>
        %dma_start3A_540 = arith.constant 0 : i32
        %dma_start3A_541 = arith.constant 0 : i32
        %dma_start3A_542 = tpu.memref_slice %arg5[%dma_start3A_524, %dma_start3A_540, %dma_start3A_541] : memref<2x2x200xi32, #tpu.memory_space<vmem>> -> memref<1x2x200xi32, #tpu.memory_space<vmem>>
        %dma_start3A_543 = tpu.memref_squeeze %dma_start3A_542 : memref<1x2x200xi32, #tpu.memory_space<vmem>> -> memref<2x200xi32, #tpu.memory_space<vmem>>
        %dma_start3A_544 = arith.constant 128 : i32
        %dma_start3A_545 = tpu.memref_slice %dma_start3A_543[%dma_start3A_525, %dma_start3A_544] : memref<2x200xi32, #tpu.memory_space<vmem>> -> memref<1x72xi32, #tpu.memory_space<vmem>>
        %dma_start3A_546 = tpu.memref_squeeze %dma_start3A_545 : memref<1x72xi32, #tpu.memory_space<vmem>> -> memref<72xi32, #tpu.memory_space<vmem>>
        %dma_start3A_547 = arith.constant 0 : i32
        %dma_start3A_548 = arith.constant 0 : i32
        %dma_start3A_549 = tpu.memref_slice %arg3[%dma_start3A_547, %dma_start3A_548] : memref<1000000x64xf32, #tpu.memory_space<hbm>> -> memref<1000000x64xf32, #tpu.memory_space<hbm>>
        tpu.enqueue_indirect_dma source(%dma_start3A_549 : memref<1000000x64xf32, #tpu.memory_space<hbm>>) target(%dma_start3A_539 : memref<72x64xf32, #tpu.memory_space<vmem>>) offsets(%dma_start3A_546 : memref<72xi32, #tpu.memory_space<vmem>>) semaphore(%arg7 : memref<!tpu.dma_semaphore, #tpu.memory_space<semaphore_mem>>)
      } else {
      }
      %dma_wait3A_315 = arith.constant 1 : i32
      %dma_wait3A_316 = arith.constant 0 : i32
      %dma_wait3A_317 = arith.constant 1 : i32
      %dma_wait3A_318 = arith.constant 0 : i32
      %dma_wait3A_319 = arith.constant 0 : i32
      %dma_wait3A_320 = arith.constant 0 : i32
      %dma_wait3A_321 = arith.constant 0 : i32
      %dma_wait3A_322 = tpu.memref_slice %arg6[%dma_wait3A_317, %dma_wait3A_319, %dma_wait3A_320, %dma_wait3A_321] : memref<2x2x200x64xf32, #tpu.memory_space<vmem>> -> memref<1x2x200x64xf32, #tpu.memory_space<vmem>>
      %dma_wait3A_323 = tpu.memref_squeeze %dma_wait3A_322 : memref<1x2x200x64xf32, #tpu.memory_space<vmem>> -> memref<2x200x64xf32, #tpu.memory_space<vmem>>
      %dma_wait3A_324 = arith.constant 0 : i32
      %dma_wait3A_325 = arith.constant 0 : i32
      %dma_wait3A_326 = tpu.memref_slice %dma_wait3A_323[%dma_wait3A_318, %dma_wait3A_324, %dma_wait3A_325] : memref<2x200x64xf32, #tpu.memory_space<vmem>> -> memref<1x200x64xf32, #tpu.memory_space<vmem>>
      %dma_wait3A_327 = tpu.memref_squeeze %dma_wait3A_326 : memref<1x200x64xf32, #tpu.memory_space<vmem>> -> memref<200x64xf32, #tpu.memory_space<vmem>>
      %dma_wait3A_328 = arith.constant 0 : i32
      %dma_wait3A_329 = arith.constant 0 : i32
      %dma_wait3A_330 = tpu.memref_slice %dma_wait3A_327[%dma_wait3A_328, %dma_wait3A_329] : memref<200x64xf32, #tpu.memory_space<vmem>> -> memref<128x64xf32, #tpu.memory_space<vmem>>
      %dma_wait3A_331 = arith.constant 0 : i32
      %dma_wait3A_332 = arith.constant 0 : i32
      %dma_wait3A_333 = tpu.memref_slice %arg5[%dma_wait3A_315, %dma_wait3A_331, %dma_wait3A_332] : memref<2x2x200xi32, #tpu.memory_space<vmem>> -> memref<1x2x200xi32, #tpu.memory_space<vmem>>
      %dma_wait3A_334 = tpu.memref_squeeze %dma_wait3A_333 : memref<1x2x200xi32, #tpu.memory_space<vmem>> -> memref<2x200xi32, #tpu.memory_space<vmem>>
      %dma_wait3A_335 = arith.constant 0 : i32
      %dma_wait3A_336 = tpu.memref_slice %dma_wait3A_334[%dma_wait3A_316, %dma_wait3A_335] : memref<2x200xi32, #tpu.memory_space<vmem>> -> memref<1x128xi32, #tpu.memory_space<vmem>>
      %dma_wait3A_337 = tpu.memref_squeeze %dma_wait3A_336 : memref<1x128xi32, #tpu.memory_space<vmem>> -> memref<128xi32, #tpu.memory_space<vmem>>
      %dma_wait3A_338 = arith.constant 0 : i32
      %dma_wait3A_339 = arith.constant 0 : i32
      %dma_wait3A_340 = tpu.memref_slice %arg3[%dma_wait3A_338, %dma_wait3A_339] : memref<1000000x64xf32, #tpu.memory_space<hbm>> -> memref<1000000x64xf32, #tpu.memory_space<hbm>>
      tpu.wait_indirect_dma semaphore(%arg8 : memref<!tpu.dma_semaphore, #tpu.memory_space<semaphore_mem>>) src(%dma_wait3A_340 : memref<1000000x64xf32, #tpu.memory_space<hbm>>) dst(%dma_wait3A_330 : memref<128x64xf32, #tpu.memory_space<vmem>>)
      %dma_wait3A_341 = arith.constant 1 : i32
      %dma_wait3A_342 = arith.constant 0 : i32
      %dma_wait3A_343 = arith.constant 1 : i32
      %dma_wait3A_344 = arith.constant 0 : i32
      %dma_wait3A_345 = arith.constant 0 : i32
      %dma_wait3A_346 = arith.constant 0 : i32
      %dma_wait3A_347 = arith.constant 0 : i32
      %dma_wait3A_348 = tpu.memref_slice %arg6[%dma_wait3A_343, %dma_wait3A_345, %dma_wait3A_346, %dma_wait3A_347] : memref<2x2x200x64xf32, #tpu.memory_space<vmem>> -> memref<1x2x200x64xf32, #tpu.memory_space<vmem>>
      %dma_wait3A_349 = tpu.memref_squeeze %dma_wait3A_348 : memref<1x2x200x64xf32, #tpu.memory_space<vmem>> -> memref<2x200x64xf32, #tpu.memory_space<vmem>>
      %dma_wait3A_350 = arith.constant 0 : i32
      %dma_wait3A_351 = arith.constant 0 : i32
      %dma_wait3A_352 = tpu.memref_slice %dma_wait3A_349[%dma_wait3A_344, %dma_wait3A_350, %dma_wait3A_351] : memref<2x200x64xf32, #tpu.memory_space<vmem>> -> memref<1x200x64xf32, #tpu.memory_space<vmem>>
      %dma_wait3A_353 = tpu.memref_squeeze %dma_wait3A_352 : memref<1x200x64xf32, #tpu.memory_space<vmem>> -> memref<200x64xf32, #tpu.memory_space<vmem>>
      %dma_wait3A_354 = arith.constant 128 : i32
      %dma_wait3A_355 = arith.constant 0 : i32
      %dma_wait3A_356 = tpu.memref_slice %dma_wait3A_353[%dma_wait3A_354, %dma_wait3A_355] : memref<200x64xf32, #tpu.memory_space<vmem>> -> memref<72x64xf32, #tpu.memory_space<vmem>>
      %dma_wait3A_357 = arith.constant 0 : i32
      %dma_wait3A_358 = arith.constant 0 : i32
      %dma_wait3A_359 = tpu.memref_slice %arg5[%dma_wait3A_341, %dma_wait3A_357, %dma_wait3A_358] : memref<2x2x200xi32, #tpu.memory_space<vmem>> -> memref<1x2x200xi32, #tpu.memory_space<vmem>>
      %dma_wait3A_360 = tpu.memref_squeeze %dma_wait3A_359 : memref<1x2x200xi32, #tpu.memory_space<vmem>> -> memref<2x200xi32, #tpu.memory_space<vmem>>
      %dma_wait3A_361 = arith.constant 128 : i32
      %dma_wait3A_362 = tpu.memref_slice %dma_wait3A_360[%dma_wait3A_342, %dma_wait3A_361] : memref<2x200xi32, #tpu.memory_space<vmem>> -> memref<1x72xi32, #tpu.memory_space<vmem>>
      %dma_wait3A_363 = tpu.memref_squeeze %dma_wait3A_362 : memref<1x72xi32, #tpu.memory_space<vmem>> -> memref<72xi32, #tpu.memory_space<vmem>>
      %dma_wait3A_364 = arith.constant 0 : i32
      %dma_wait3A_365 = arith.constant 0 : i32
      %dma_wait3A_366 = tpu.memref_slice %arg3[%dma_wait3A_364, %dma_wait3A_365] : memref<1000000x64xf32, #tpu.memory_space<hbm>> -> memref<1000000x64xf32, #tpu.memory_space<hbm>>
      tpu.wait_indirect_dma semaphore(%arg8 : memref<!tpu.dma_semaphore, #tpu.memory_space<semaphore_mem>>) src(%dma_wait3A_366 : memref<1000000x64xf32, #tpu.memory_space<hbm>>) dst(%dma_wait3A_356 : memref<72x64xf32, #tpu.memory_space<vmem>>)
      %dma_wait3A_367 = arith.constant 1 : i32
      %dma_wait3A_368 = arith.constant 1 : i32
      %dma_wait3A_369 = arith.constant 1 : i32
      %dma_wait3A_370 = arith.constant 1 : i32
      %dma_wait3A_371 = arith.constant 0 : i32
      %dma_wait3A_372 = arith.constant 0 : i32
      %dma_wait3A_373 = arith.constant 0 : i32
      %dma_wait3A_374 = tpu.memref_slice %arg6[%dma_wait3A_369, %dma_wait3A_371, %dma_wait3A_372, %dma_wait3A_373] : memref<2x2x200x64xf32, #tpu.memory_space<vmem>> -> memref<1x2x200x64xf32, #tpu.memory_space<vmem>>
      %dma_wait3A_375 = tpu.memref_squeeze %dma_wait3A_374 : memref<1x2x200x64xf32, #tpu.memory_space<vmem>> -> memref<2x200x64xf32, #tpu.memory_space<vmem>>
      %dma_wait3A_376 = arith.constant 0 : i32
      %dma_wait3A_377 = arith.constant 0 : i32
      %dma_wait3A_378 = tpu.memref_slice %dma_wait3A_375[%dma_wait3A_370, %dma_wait3A_376, %dma_wait3A_377] : memref<2x200x64xf32, #tpu.memory_space<vmem>> -> memref<1x200x64xf32, #tpu.memory_space<vmem>>
      %dma_wait3A_379 = tpu.memref_squeeze %dma_wait3A_378 : memref<1x200x64xf32, #tpu.memory_space<vmem>> -> memref<200x64xf32, #tpu.memory_space<vmem>>
      %dma_wait3A_380 = arith.constant 0 : i32
      %dma_wait3A_381 = arith.constant 0 : i32
      %dma_wait3A_382 = tpu.memref_slice %dma_wait3A_379[%dma_wait3A_380, %dma_wait3A_381] : memref<200x64xf32, #tpu.memory_space<vmem>> -> memref<128x64xf32, #tpu.memory_space<vmem>>
      %dma_wait3A_383 = arith.constant 0 : i32
      %dma_wait3A_384 = arith.constant 0 : i32
      %dma_wait3A_385 = tpu.memref_slice %arg5[%dma_wait3A_367, %dma_wait3A_383, %dma_wait3A_384] : memref<2x2x200xi32, #tpu.memory_space<vmem>> -> memref<1x2x200xi32, #tpu.memory_space<vmem>>
      %dma_wait3A_386 = tpu.memref_squeeze %dma_wait3A_385 : memref<1x2x200xi32, #tpu.memory_space<vmem>> -> memref<2x200xi32, #tpu.memory_space<vmem>>
      %dma_wait3A_387 = arith.constant 0 : i32
      %dma_wait3A_388 = tpu.memref_slice %dma_wait3A_386[%dma_wait3A_368, %dma_wait3A_387] : memref<2x200xi32, #tpu.memory_space<vmem>> -> memref<1x128xi32, #tpu.memory_space<vmem>>
      %dma_wait3A_389 = tpu.memref_squeeze %dma_wait3A_388 : memref<1x128xi32, #tpu.memory_space<vmem>> -> memref<128xi32, #tpu.memory_space<vmem>>
      %dma_wait3A_390 = arith.constant 0 : i32
      %dma_wait3A_391 = arith.constant 0 : i32
      %dma_wait3A_392 = tpu.memref_slice %arg3[%dma_wait3A_390, %dma_wait3A_391] : memref<1000000x64xf32, #tpu.memory_space<hbm>> -> memref<1000000x64xf32, #tpu.memory_space<hbm>>
      tpu.wait_indirect_dma semaphore(%arg8 : memref<!tpu.dma_semaphore, #tpu.memory_space<semaphore_mem>>) src(%dma_wait3A_392 : memref<1000000x64xf32, #tpu.memory_space<hbm>>) dst(%dma_wait3A_382 : memref<128x64xf32, #tpu.memory_space<vmem>>)
      %dma_wait3A_393 = arith.constant 1 : i32
      %dma_wait3A_394 = arith.constant 1 : i32
      %dma_wait3A_395 = arith.constant 1 : i32
      %dma_wait3A_396 = arith.constant 1 : i32
      %dma_wait3A_397 = arith.constant 0 : i32
      %dma_wait3A_398 = arith.constant 0 : i32
      %dma_wait3A_399 = arith.constant 0 : i32
      %dma_wait3A_400 = tpu.memref_slice %arg6[%dma_wait3A_395, %dma_wait3A_397, %dma_wait3A_398, %dma_wait3A_399] : memref<2x2x200x64xf32, #tpu.memory_space<vmem>> -> memref<1x2x200x64xf32, #tpu.memory_space<vmem>>
      %dma_wait3A_401 = tpu.memref_squeeze %dma_wait3A_400 : memref<1x2x200x64xf32, #tpu.memory_space<vmem>> -> memref<2x200x64xf32, #tpu.memory_space<vmem>>
      %dma_wait3A_402 = arith.constant 0 : i32
      %dma_wait3A_403 = arith.constant 0 : i32
      %dma_wait3A_404 = tpu.memref_slice %dma_wait3A_401[%dma_wait3A_396, %dma_wait3A_402, %dma_wait3A_403] : memref<2x200x64xf32, #tpu.memory_space<vmem>> -> memref<1x200x64xf32, #tpu.memory_space<vmem>>
      %dma_wait3A_405 = tpu.memref_squeeze %dma_wait3A_404 : memref<1x200x64xf32, #tpu.memory_space<vmem>> -> memref<200x64xf32, #tpu.memory_space<vmem>>
      %dma_wait3A_406 = arith.constant 128 : i32
      %dma_wait3A_407 = arith.constant 0 : i32
      %dma_wait3A_408 = tpu.memref_slice %dma_wait3A_405[%dma_wait3A_406, %dma_wait3A_407] : memref<200x64xf32, #tpu.memory_space<vmem>> -> memref<72x64xf32, #tpu.memory_space<vmem>>
      %dma_wait3A_409 = arith.constant 0 : i32
      %dma_wait3A_410 = arith.constant 0 : i32
      %dma_wait3A_411 = tpu.memref_slice %arg5[%dma_wait3A_393, %dma_wait3A_409, %dma_wait3A_410] : memref<2x2x200xi32, #tpu.memory_space<vmem>> -> memref<1x2x200xi32, #tpu.memory_space<vmem>>
      %dma_wait3A_412 = tpu.memref_squeeze %dma_wait3A_411 : memref<1x2x200xi32, #tpu.memory_space<vmem>> -> memref<2x200xi32, #tpu.memory_space<vmem>>
      %dma_wait3A_413 = arith.constant 128 : i32
      %dma_wait3A_414 = tpu.memref_slice %dma_wait3A_412[%dma_wait3A_394, %dma_wait3A_413] : memref<2x200xi32, #tpu.memory_space<vmem>> -> memref<1x72xi32, #tpu.memory_space<vmem>>
      %dma_wait3A_415 = tpu.memref_squeeze %dma_wait3A_414 : memref<1x72xi32, #tpu.memory_space<vmem>> -> memref<72xi32, #tpu.memory_space<vmem>>
      %dma_wait3A_416 = arith.constant 0 : i32
      %dma_wait3A_417 = arith.constant 0 : i32
      %dma_wait3A_418 = tpu.memref_slice %arg3[%dma_wait3A_416, %dma_wait3A_417] : memref<1000000x64xf32, #tpu.memory_space<hbm>> -> memref<1000000x64xf32, #tpu.memory_space<hbm>>
      tpu.wait_indirect_dma semaphore(%arg8 : memref<!tpu.dma_semaphore, #tpu.memory_space<semaphore_mem>>) src(%dma_wait3A_418 : memref<1000000x64xf32, #tpu.memory_space<hbm>>) dst(%dma_wait3A_408 : memref<72x64xf32, #tpu.memory_space<vmem>>)
      %parallel_loop3A_419 = arith.constant 0 : i32
      %parallel_loop3A_420 = arith.constant 200 : i32
      %parallel_loop3A_421 = arith.constant 1 : i32
      scf.for %parallel_loop3A_442 = %parallel_loop3A_419 to %parallel_loop3A_420 step %parallel_loop3A_421  : i32 {
        %parallel_loop3A_443 = arith.constant 1 : i32
        %parallel_loop3A_444 = arith.constant 0 : i32
        %parallel_loop3A_445 = arith.index_cast %parallel_loop3A_443 : i32 to index
        %parallel_loop3A_446 = arith.index_cast %parallel_loop3A_444 : i32 to index
        %parallel_loop3A_447 = arith.index_cast %parallel_loop3A_442 : i32 to index
        %parallel_loop3A_448 = arith.constant 0 : index
        %parallel_loop3A_449 = tpu.vector_load %arg6[%parallel_loop3A_445, %parallel_loop3A_446, %parallel_loop3A_447, %parallel_loop3A_448] {strides = array<i32>} : memref<2x2x200x64xf32, #tpu.memory_space<vmem>>, vector<1x1x1x16xf32>,
        %parallel_loop3A_450 = vector.shape_cast %parallel_loop3A_449 : vector<1x1x1x16xf32> to vector<16xf32>
        %parallel_loop3A_451 = arith.constant 8.000000e+00 : f32
        %parallel_loop3A_452 = vector.broadcast %parallel_loop3A_451 : f32 to vector<16xf32>
        %parallel_loop3A_453 = arith.mulf %parallel_loop3A_450, %parallel_loop3A_452 : vector<16xf32>
        %parallel_loop3A_454 = arith.constant 1 : i32
        %parallel_loop3A_455 = arith.constant 0 : i32
        %parallel_loop3A_456 = arith.index_cast %parallel_loop3A_454 : i32 to index
        %parallel_loop3A_457 = arith.index_cast %parallel_loop3A_455 : i32 to index
        %parallel_loop3A_458 = arith.index_cast %parallel_loop3A_442 : i32 to index
        %parallel_loop3A_459 = arith.constant 0 : index
        %parallel_loop3A_460 = tpu.vector_load %arg6[%parallel_loop3A_456, %parallel_loop3A_457, %parallel_loop3A_458, %parallel_loop3A_459] {strides = array<i32>} : memref<2x2x200x64xf32, #tpu.memory_space<vmem>>, vector<1x1x1x16xf32>,
        %parallel_loop3A_461 = vector.shape_cast %parallel_loop3A_460 : vector<1x1x1x16xf32> to vector<16xf32>
        %parallel_loop3A_462 = vector.shape_cast %parallel_loop3A_453 : vector<16xf32> to vector<1x1x1x16xf32>
        tpu.vector_store %arg6[%parallel_loop3A_456, %parallel_loop3A_457, %parallel_loop3A_458, %parallel_loop3A_459], %parallel_loop3A_462 {strides = array<i32>} : memref<2x2x200x64xf32, #tpu.memory_space<vmem>>, vector<1x1x1x16xf32>,
        %parallel_loop3A_463 = arith.constant 1 : i32
        %parallel_loop3A_464 = arith.constant 0 : i32
        %parallel_loop3A_465 = arith.index_cast %parallel_loop3A_463 : i32 to index
        %parallel_loop3A_466 = arith.index_cast %parallel_loop3A_464 : i32 to index
        %parallel_loop3A_467 = arith.index_cast %parallel_loop3A_442 : i32 to index
        %parallel_loop3A_468 = arith.constant 16 : index
        %parallel_loop3A_469 = tpu.vector_load %arg6[%parallel_loop3A_465, %parallel_loop3A_466, %parallel_loop3A_467, %parallel_loop3A_468] {strides = array<i32>} : memref<2x2x200x64xf32, #tpu.memory_space<vmem>>, vector<1x1x1x16xf32>,
        %parallel_loop3A_470 = vector.shape_cast %parallel_loop3A_469 : vector<1x1x1x16xf32> to vector<16xf32>
        %parallel_loop3A_471 = arith.constant 8.000000e+00 : f32
        %parallel_loop3A_472 = vector.broadcast %parallel_loop3A_471 : f32 to vector<16xf32>
        %parallel_loop3A_473 = arith.mulf %parallel_loop3A_470, %parallel_loop3A_472 : vector<16xf32>
        %parallel_loop3A_474 = arith.constant 1 : i32
        %parallel_loop3A_475 = arith.constant 0 : i32
        %parallel_loop3A_476 = arith.index_cast %parallel_loop3A_474 : i32 to index
        %parallel_loop3A_477 = arith.index_cast %parallel_loop3A_475 : i32 to index
        %parallel_loop3A_478 = arith.index_cast %parallel_loop3A_442 : i32 to index
        %parallel_loop3A_479 = arith.constant 16 : index
        %parallel_loop3A_480 = tpu.vector_load %arg6[%parallel_loop3A_476, %parallel_loop3A_477, %parallel_loop3A_478, %parallel_loop3A_479] {strides = array<i32>} : memref<2x2x200x64xf32, #tpu.memory_space<vmem>>, vector<1x1x1x16xf32>,
        %parallel_loop3A_481 = vector.shape_cast %parallel_loop3A_480 : vector<1x1x1x16xf32> to vector<16xf32>
        %parallel_loop3A_482 = vector.shape_cast %parallel_loop3A_473 : vector<16xf32> to vector<1x1x1x16xf32>
        tpu.vector_store %arg6[%parallel_loop3A_476, %parallel_loop3A_477, %parallel_loop3A_478, %parallel_loop3A_479], %parallel_loop3A_482 {strides = array<i32>} : memref<2x2x200x64xf32, #tpu.memory_space<vmem>>, vector<1x1x1x16xf32>,
        %parallel_loop3A_483 = arith.constant 1 : i32
        %parallel_loop3A_484 = arith.constant 0 : i32
        %parallel_loop3A_485 = arith.index_cast %parallel_loop3A_483 : i32 to index
        %parallel_loop3A_486 = arith.index_cast %parallel_loop3A_484 : i32 to index
        %parallel_loop3A_487 = arith.index_cast %parallel_loop3A_442 : i32 to index
        %parallel_loop3A_488 = arith.constant 32 : index
        %parallel_loop3A_489 = tpu.vector_load %arg6[%parallel_loop3A_485, %parallel_loop3A_486, %parallel_loop3A_487, %parallel_loop3A_488] {strides = array<i32>} : memref<2x2x200x64xf32, #tpu.memory_space<vmem>>, vector<1x1x1x16xf32>,
        %parallel_loop3A_490 = vector.shape_cast %parallel_loop3A_489 : vector<1x1x1x16xf32> to vector<16xf32>
        %parallel_loop3A_491 = arith.constant 8.000000e+00 : f32
        %parallel_loop3A_492 = vector.broadcast %parallel_loop3A_491 : f32 to vector<16xf32>
        %parallel_loop3A_493 = arith.mulf %parallel_loop3A_490, %parallel_loop3A_492 : vector<16xf32>
        %parallel_loop3A_494 = arith.constant 1 : i32
        %parallel_loop3A_495 = arith.constant 0 : i32
        %parallel_loop3A_496 = arith.index_cast %parallel_loop3A_494 : i32 to index
        %parallel_loop3A_497 = arith.index_cast %parallel_loop3A_495 : i32 to index
        %parallel_loop3A_498 = arith.index_cast %parallel_loop3A_442 : i32 to index
        %parallel_loop3A_499 = arith.constant 32 : index
        %parallel_loop3A_500 = tpu.vector_load %arg6[%parallel_loop3A_496, %parallel_loop3A_497, %parallel_loop3A_498, %parallel_loop3A_499] {strides = array<i32>} : memref<2x2x200x64xf32, #tpu.memory_space<vmem>>, vector<1x1x1x16xf32>,
        %parallel_loop3A_501 = vector.shape_cast %parallel_loop3A_500 : vector<1x1x1x16xf32> to vector<16xf32>
        %parallel_loop3A_502 = vector.shape_cast %parallel_loop3A_493 : vector<16xf32> to vector<1x1x1x16xf32>
        tpu.vector_store %arg6[%parallel_loop3A_496, %parallel_loop3A_497, %parallel_loop3A_498, %parallel_loop3A_499], %parallel_loop3A_502 {strides = array<i32>} : memref<2x2x200x64xf32, #tpu.memory_space<vmem>>, vector<1x1x1x16xf32>,
        %parallel_loop3A_503 = arith.constant 1 : i32
        %parallel_loop3A_504 = arith.constant 0 : i32
        %parallel_loop3A_505 = arith.index_cast %parallel_loop3A_503 : i32 to index
        %parallel_loop3A_506 = arith.index_cast %parallel_loop3A_504 : i32 to index
        %parallel_loop3A_507 = arith.index_cast %parallel_loop3A_442 : i32 to index
        %parallel_loop3A_508 = arith.constant 48 : index
        %parallel_loop3A_509 = tpu.vector_load %arg6[%parallel_loop3A_505, %parallel_loop3A_506, %parallel_loop3A_507, %parallel_loop3A_508] {strides = array<i32>} : memref<2x2x200x64xf32, #tpu.memory_space<vmem>>, vector<1x1x1x16xf32>,
        %parallel_loop3A_510 = vector.shape_cast %parallel_loop3A_509 : vector<1x1x1x16xf32> to vector<16xf32>
        %parallel_loop3A_511 = arith.constant 8.000000e+00 : f32
        %parallel_loop3A_512 = vector.broadcast %parallel_loop3A_511 : f32 to vector<16xf32>
        %parallel_loop3A_513 = arith.mulf %parallel_loop3A_510, %parallel_loop3A_512 : vector<16xf32>
        %parallel_loop3A_514 = arith.constant 1 : i32
        %parallel_loop3A_515 = arith.constant 0 : i32
        %parallel_loop3A_516 = arith.index_cast %parallel_loop3A_514 : i32 to index
        %parallel_loop3A_517 = arith.index_cast %parallel_loop3A_515 : i32 to index
        %parallel_loop3A_518 = arith.index_cast %parallel_loop3A_442 : i32 to index
        %parallel_loop3A_519 = arith.constant 48 : index
        %parallel_loop3A_520 = tpu.vector_load %arg6[%parallel_loop3A_516, %parallel_loop3A_517, %parallel_loop3A_518, %parallel_loop3A_519] {strides = array<i32>} : memref<2x2x200x64xf32, #tpu.memory_space<vmem>>, vector<1x1x1x16xf32>,
        %parallel_loop3A_521 = vector.shape_cast %parallel_loop3A_520 : vector<1x1x1x16xf32> to vector<16xf32>
        %parallel_loop3A_522 = vector.shape_cast %parallel_loop3A_513 : vector<16xf32> to vector<1x1x1x16xf32>
        tpu.vector_store %arg6[%parallel_loop3A_516, %parallel_loop3A_517, %parallel_loop3A_518, %parallel_loop3A_519], %parallel_loop3A_522 {strides = array<i32>} : memref<2x2x200x64xf32, #tpu.memory_space<vmem>>, vector<1x1x1x16xf32>,
        %parallel_loop3A_523 = arith.constant 1 : i32
        %parallel_loop3A_524 = arith.constant 1 : i32
        %parallel_loop3A_525 = arith.index_cast %parallel_loop3A_523 : i32 to index
        %parallel_loop3A_526 = arith.index_cast %parallel_loop3A_524 : i32 to index
        %parallel_loop3A_527 = arith.index_cast %parallel_loop3A_442 : i32 to index
        %parallel_loop3A_528 = arith.constant 0 : index
        %parallel_loop3A_529 = tpu.vector_load %arg6[%parallel_loop3A_525, %parallel_loop3A_526, %parallel_loop3A_527, %parallel_loop3A_528] {strides = array<i32>} : memref<2x2x200x64xf32, #tpu.memory_space<vmem>>, vector<1x1x1x16xf32>,
        %parallel_loop3A_530 = vector.shape_cast %parallel_loop3A_529 : vector<1x1x1x16xf32> to vector<16xf32>
        %parallel_loop3A_531 = arith.constant 8.000000e+00 : f32
        %parallel_loop3A_532 = vector.broadcast %parallel_loop3A_531 : f32 to vector<16xf32>
        %parallel_loop3A_533 = arith.mulf %parallel_loop3A_530, %parallel_loop3A_532 : vector<16xf32>
        %parallel_loop3A_534 = arith.constant 1 : i32
        %parallel_loop3A_535 = arith.constant 1 : i32
        %parallel_loop3A_536 = arith.index_cast %parallel_loop3A_534 : i32 to index
        %parallel_loop3A_537 = arith.index_cast %parallel_loop3A_535 : i32 to index
        %parallel_loop3A_538 = arith.index_cast %parallel_loop3A_442 : i32 to index
        %parallel_loop3A_539 = arith.constant 0 : index
        %parallel_loop3A_540 = tpu.vector_load %arg6[%parallel_loop3A_536, %parallel_loop3A_537, %parallel_loop3A_538, %parallel_loop3A_539] {strides = array<i32>} : memref<2x2x200x64xf32, #tpu.memory_space<vmem>>, vector<1x1x1x16xf32>,
        %parallel_loop3A_541 = vector.shape_cast %parallel_loop3A_540 : vector<1x1x1x16xf32> to vector<16xf32>
        %parallel_loop3A_542 = vector.shape_cast %parallel_loop3A_533 : vector<16xf32> to vector<1x1x1x16xf32>
        tpu.vector_store %arg6[%parallel_loop3A_536, %parallel_loop3A_537, %parallel_loop3A_538, %parallel_loop3A_539], %parallel_loop3A_542 {strides = array<i32>} : memref<2x2x200x64xf32, #tpu.memory_space<vmem>>, vector<1x1x1x16xf32>,
        %parallel_loop3A_543 = arith.constant 1 : i32
        %parallel_loop3A_544 = arith.constant 1 : i32
        %parallel_loop3A_545 = arith.index_cast %parallel_loop3A_543 : i32 to index
        %parallel_loop3A_546 = arith.index_cast %parallel_loop3A_544 : i32 to index
        %parallel_loop3A_547 = arith.index_cast %parallel_loop3A_442 : i32 to index
        %parallel_loop3A_548 = arith.constant 16 : index
        %parallel_loop3A_549 = tpu.vector_load %arg6[%parallel_loop3A_545, %parallel_loop3A_546, %parallel_loop3A_547, %parallel_loop3A_548] {strides = array<i32>} : memref<2x2x200x64xf32, #tpu.memory_space<vmem>>, vector<1x1x1x16xf32>,
        %parallel_loop3A_550 = vector.shape_cast %parallel_loop3A_549 : vector<1x1x1x16xf32> to vector<16xf32>
        %parallel_loop3A_551 = arith.constant 8.000000e+00 : f32
        %parallel_loop3A_552 = vector.broadcast %parallel_loop3A_551 : f32 to vector<16xf32>
        %parallel_loop3A_553 = arith.mulf %parallel_loop3A_550, %parallel_loop3A_552 : vector<16xf32>
        %parallel_loop3A_554 = arith.constant 1 : i32
        %parallel_loop3A_555 = arith.constant 1 : i32
        %parallel_loop3A_556 = arith.index_cast %parallel_loop3A_554 : i32 to index
        %parallel_loop3A_557 = arith.index_cast %parallel_loop3A_555 : i32 to index
        %parallel_loop3A_558 = arith.index_cast %parallel_loop3A_442 : i32 to index
        %parallel_loop3A_559 = arith.constant 16 : index
        %parallel_loop3A_560 = tpu.vector_load %arg6[%parallel_loop3A_556, %parallel_loop3A_557, %parallel_loop3A_558, %parallel_loop3A_559] {strides = array<i32>} : memref<2x2x200x64xf32, #tpu.memory_space<vmem>>, vector<1x1x1x16xf32>,
        %parallel_loop3A_561 = vector.shape_cast %parallel_loop3A_560 : vector<1x1x1x16xf32> to vector<16xf32>
        %parallel_loop3A_562 = vector.shape_cast %parallel_loop3A_553 : vector<16xf32> to vector<1x1x1x16xf32>
        tpu.vector_store %arg6[%parallel_loop3A_556, %parallel_loop3A_557, %parallel_loop3A_558, %parallel_loop3A_559], %parallel_loop3A_562 {strides = array<i32>} : memref<2x2x200x64xf32, #tpu.memory_space<vmem>>, vector<1x1x1x16xf32>,
        %parallel_loop3A_563 = arith.constant 1 : i32
        %parallel_loop3A_564 = arith.constant 1 : i32
        %parallel_loop3A_565 = arith.index_cast %parallel_loop3A_563 : i32 to index
        %parallel_loop3A_566 = arith.index_cast %parallel_loop3A_564 : i32 to index
        %parallel_loop3A_567 = arith.index_cast %parallel_loop3A_442 : i32 to index
        %parallel_loop3A_568 = arith.constant 32 : index
        %parallel_loop3A_569 = tpu.vector_load %arg6[%parallel_loop3A_565, %parallel_loop3A_566, %parallel_loop3A_567, %parallel_loop3A_568] {strides = array<i32>} : memref<2x2x200x64xf32, #tpu.memory_space<vmem>>, vector<1x1x1x16xf32>,
        %parallel_loop3A_570 = vector.shape_cast %parallel_loop3A_569 : vector<1x1x1x16xf32> to vector<16xf32>
        %parallel_loop3A_571 = arith.constant 8.000000e+00 : f32
        %parallel_loop3A_572 = vector.broadcast %parallel_loop3A_571 : f32 to vector<16xf32>
        %parallel_loop3A_573 = arith.mulf %parallel_loop3A_570, %parallel_loop3A_572 : vector<16xf32>
        %parallel_loop3A_574 = arith.constant 1 : i32
        %parallel_loop3A_575 = arith.constant 1 : i32
        %parallel_loop3A_576 = arith.index_cast %parallel_loop3A_574 : i32 to index
        %parallel_loop3A_577 = arith.index_cast %parallel_loop3A_575 : i32 to index
        %parallel_loop3A_578 = arith.index_cast %parallel_loop3A_442 : i32 to index
        %parallel_loop3A_579 = arith.constant 32 : index
        %parallel_loop3A_580 = tpu.vector_load %arg6[%parallel_loop3A_576, %parallel_loop3A_577, %parallel_loop3A_578, %parallel_loop3A_579] {strides = array<i32>} : memref<2x2x200x64xf32, #tpu.memory_space<vmem>>, vector<1x1x1x16xf32>,
        %parallel_loop3A_581 = vector.shape_cast %parallel_loop3A_580 : vector<1x1x1x16xf32> to vector<16xf32>
        %parallel_loop3A_582 = vector.shape_cast %parallel_loop3A_573 : vector<16xf32> to vector<1x1x1x16xf32>
        tpu.vector_store %arg6[%parallel_loop3A_576, %parallel_loop3A_577, %parallel_loop3A_578, %parallel_loop3A_579], %parallel_loop3A_582 {strides = array<i32>} : memref<2x2x200x64xf32, #tpu.memory_space<vmem>>, vector<1x1x1x16xf32>,
        %parallel_loop3A_583 = arith.constant 1 : i32
        %parallel_loop3A_584 = arith.constant 1 : i32
        %parallel_loop3A_585 = arith.index_cast %parallel_loop3A_583 : i32 to index
        %parallel_loop3A_586 = arith.index_cast %parallel_loop3A_584 : i32 to index
        %parallel_loop3A_587 = arith.index_cast %parallel_loop3A_442 : i32 to index
        %parallel_loop3A_588 = arith.constant 48 : index
        %parallel_loop3A_589 = tpu.vector_load %arg6[%parallel_loop3A_585, %parallel_loop3A_586, %parallel_loop3A_587, %parallel_loop3A_588] {strides = array<i32>} : memref<2x2x200x64xf32, #tpu.memory_space<vmem>>, vector<1x1x1x16xf32>,
        %parallel_loop3A_590 = vector.shape_cast %parallel_loop3A_589 : vector<1x1x1x16xf32> to vector<16xf32>
        %parallel_loop3A_591 = arith.constant 8.000000e+00 : f32
        %parallel_loop3A_592 = vector.broadcast %parallel_loop3A_591 : f32 to vector<16xf32>
        %parallel_loop3A_593 = arith.mulf %parallel_loop3A_590, %parallel_loop3A_592 : vector<16xf32>
        %parallel_loop3A_594 = arith.constant 1 : i32
        %parallel_loop3A_595 = arith.constant 1 : i32
        %parallel_loop3A_596 = arith.index_cast %parallel_loop3A_594 : i32 to index
        %parallel_loop3A_597 = arith.index_cast %parallel_loop3A_595 : i32 to index
        %parallel_loop3A_598 = arith.index_cast %parallel_loop3A_442 : i32 to index
        %parallel_loop3A_599 = arith.constant 48 : index
        %parallel_loop3A_600 = tpu.vector_load %arg6[%parallel_loop3A_596, %parallel_loop3A_597, %parallel_loop3A_598, %parallel_loop3A_599] {strides = array<i32>} : memref<2x2x200x64xf32, #tpu.memory_space<vmem>>, vector<1x1x1x16xf32>,
        %parallel_loop3A_601 = vector.shape_cast %parallel_loop3A_600 : vector<1x1x1x16xf32> to vector<16xf32>
        %parallel_loop3A_602 = vector.shape_cast %parallel_loop3A_593 : vector<16xf32> to vector<1x1x1x16xf32>
        tpu.vector_store %arg6[%parallel_loop3A_596, %parallel_loop3A_597, %parallel_loop3A_598, %parallel_loop3A_599], %parallel_loop3A_602 {strides = array<i32>} : memref<2x2x200x64xf32, #tpu.memory_space<vmem>>, vector<1x1x1x16xf32>,
      } {sc.loop_unroll_factor = 8 : i64, sc.parallel_access}
      %add3A_422 = arith.addi %mul3A_2, %add3A_299 : i32
      %mul3A_423 = arith.constant 2 : i32
      %mul3A_424 = arith.muli %add3A_422, %mul3A_423 : i32
      %dma_start3A_425 = arith.constant 1 : i32
      %dma_start3A_426 = arith.constant 0 : i32
      %dma_start3A_427 = arith.constant 0 : i32
      %dma_start3A_428 = arith.constant 0 : i32
      %dma_start3A_429 = tpu.memref_slice %arg6[%dma_start3A_425, %dma_start3A_426, %dma_start3A_427, %dma_start3A_428] : memref<2x2x200x64xf32, #tpu.memory_space<vmem>> -> memref<1x2x200x64xf32, #tpu.memory_space<vmem>>
      %dma_start3A_430 = tpu.memref_squeeze %dma_start3A_429 : memref<1x2x200x64xf32, #tpu.memory_space<vmem>> -> memref<2x200x64xf32, #tpu.memory_space<vmem>>
      %dma_start3A_431 = arith.constant 0 : i32
      %dma_start3A_432 = arith.constant 0 : i32
      %dma_start3A_433 = tpu.memref_slice %arg4[%mul3A_424, %dma_start3A_431, %dma_start3A_432] : memref<4096x200x64xf32, #tpu.memory_space<hbm>> -> memref<2x200x64xf32, #tpu.memory_space<hbm>>
      %dma_start3A_434 = arith.constant 0 : i32
      %dma_start3A_435 = arith.constant 0 : i32
      %dma_start3A_436 = tpu.memref_slice %arg4[%mul3A_424, %dma_start3A_434, %dma_start3A_435] : memref<4096x200x64xf32, #tpu.memory_space<hbm>> -> memref<2x200x64xf32, #tpu.memory_space<hbm>>
      %dma_start3A_437 = arith.constant 0 : i32
      %dma_start3A_438 = arith.constant 0 : i32
      %dma_start3A_439 = arith.constant 0 : i32
      %dma_start3A_440 = tpu.memref_slice %arg6[%dma_start3A_425, %dma_start3A_437, %dma_start3A_438, %dma_start3A_439] : memref<2x2x200x64xf32, #tpu.memory_space<vmem>> -> memref<1x2x200x64xf32, #tpu.memory_space<vmem>>
      %dma_start3A_441 = tpu.memref_squeeze %dma_start3A_440 : memref<1x2x200x64xf32, #tpu.memory_space<vmem>> -> memref<2x200x64xf32, #tpu.memory_space<vmem>>
      tpu.enqueue_dma source(%dma_start3A_441 : memref<2x200x64xf32, #tpu.memory_space<vmem>>) target(%dma_start3A_436 : memref<2x200x64xf32, #tpu.memory_space<hbm>>) target_semaphore(%arg10 : memref<!tpu.dma_semaphore, #tpu.memory_space<semaphore_mem>>)
    }
    %scan3A_113 = arith.constant 32 : i32
    %add3A_114 = arith.constant 62 : i32
    %add3A_115 = arith.addi %mul3A_2, %add3A_114 : i32
    %mul3A_116 = arith.constant 2 : i32
    %mul3A_117 = arith.muli %add3A_115, %mul3A_116 : i32
    %dma_wait3A = arith.constant 0 : i32
    %dma_wait3A_118 = arith.constant 0 : i32
    %dma_wait3A_119 = arith.constant 0 : i32
    %dma_wait3A_120 = arith.constant 0 : i32
    %dma_wait3A_121 = tpu.memref_slice %arg6[%dma_wait3A, %dma_wait3A_118, %dma_wait3A_119, %dma_wait3A_120] : memref<2x2x200x64xf32, #tpu.memory_space<vmem>> -> memref<1x2x200x64xf32, #tpu.memory_space<vmem>>
    %dma_wait3A_122 = tpu.memref_squeeze %dma_wait3A_121 : memref<1x2x200x64xf32, #tpu.memory_space<vmem>> -> memref<2x200x64xf32, #tpu.memory_space<vmem>>
    %dma_wait3A_123 = arith.constant 0 : i32
    %dma_wait3A_124 = arith.constant 0 : i32
    %dma_wait3A_125 = tpu.memref_slice %arg4[%mul3A_117, %dma_wait3A_123, %dma_wait3A_124] : memref<4096x200x64xf32, #tpu.memory_space<hbm>> -> memref<2x200x64xf32, #tpu.memory_space<hbm>>
    %dma_wait3A_126 = arith.constant 0 : i32
    %dma_wait3A_127 = arith.constant 0 : i32
    %dma_wait3A_128 = tpu.memref_slice %arg4[%mul3A_117, %dma_wait3A_126, %dma_wait3A_127] : memref<4096x200x64xf32, #tpu.memory_space<hbm>> -> memref<2x200x64xf32, #tpu.memory_space<hbm>>
    %dma_wait3A_129 = arith.constant 0 : i32
    %dma_wait3A_130 = arith.constant 0 : i32
    %dma_wait3A_131 = arith.constant 0 : i32
    %dma_wait3A_132 = tpu.memref_slice %arg6[%dma_wait3A, %dma_wait3A_129, %dma_wait3A_130, %dma_wait3A_131] : memref<2x2x200x64xf32, #tpu.memory_space<vmem>> -> memref<1x2x200x64xf32, #tpu.memory_space<vmem>>
    %dma_wait3A_133 = tpu.memref_squeeze %dma_wait3A_132 : memref<1x2x200x64xf32, #tpu.memory_space<vmem>> -> memref<2x200x64xf32, #tpu.memory_space<vmem>>
    tpu.wait_dma2 semaphore(%arg9 : memref<!tpu.dma_semaphore, #tpu.memory_space<semaphore_mem>>) src(%dma_wait3A_133 : memref<2x200x64xf32, #tpu.memory_space<vmem>>) dst(%dma_wait3A_128 : memref<2x200x64xf32, #tpu.memory_space<hbm>>)
    %add3A_134 = arith.constant 63 : i32
    %add3A_135 = arith.addi %mul3A_2, %add3A_134 : i32
    %mul3A_136 = arith.constant 2 : i32
    %mul3A_137 = arith.muli %add3A_135, %mul3A_136 : i32
    %dma_wait3A_138 = arith.constant 1 : i32
    %dma_wait3A_139 = arith.constant 0 : i32
    %dma_wait3A_140 = arith.constant 0 : i32
    %dma_wait3A_141 = arith.constant 0 : i32
    %dma_wait3A_142 = tpu.memref_slice %arg6[%dma_wait3A_138, %dma_wait3A_139, %dma_wait3A_140, %dma_wait3A_141] : memref<2x2x200x64xf32, #tpu.memory_space<vmem>> -> memref<1x2x200x64xf32, #tpu.memory_space<vmem>>
    %dma_wait3A_143 = tpu.memref_squeeze %dma_wait3A_142 : memref<1x2x200x64xf32, #tpu.memory_space<vmem>> -> memref<2x200x64xf32, #tpu.memory_space<vmem>>
    %dma_wait3A_144 = arith.constant 0 : i32
    %dma_wait3A_145 = arith.constant 0 : i32
    %dma_wait3A_146 = tpu.memref_slice %arg4[%mul3A_137, %dma_wait3A_144, %dma_wait3A_145] : memref<4096x200x64xf32, #tpu.memory_space<hbm>> -> memref<2x200x64xf32, #tpu.memory_space<hbm>>
    %dma_wait3A_147 = arith.constant 0 : i32
    %dma_wait3A_148 = arith.constant 0 : i32
    %dma_wait3A_149 = tpu.memref_slice %arg4[%mul3A_137, %dma_wait3A_147, %dma_wait3A_148] : memref<4096x200x64xf32, #tpu.memory_space<hbm>> -> memref<2x200x64xf32, #tpu.memory_space<hbm>>
    %dma_wait3A_150 = arith.constant 0 : i32
    %dma_wait3A_151 = arith.constant 0 : i32
    %dma_wait3A_152 = arith.constant 0 : i32
    %dma_wait3A_153 = tpu.memref_slice %arg6[%dma_wait3A_138, %dma_wait3A_150, %dma_wait3A_151, %dma_wait3A_152] : memref<2x2x200x64xf32, #tpu.memory_space<vmem>> -> memref<1x2x200x64xf32, #tpu.memory_space<vmem>>
    %dma_wait3A_154 = tpu.memref_squeeze %dma_wait3A_153 : memref<1x2x200x64xf32, #tpu.memory_space<vmem>> -> memref<2x200x64xf32, #tpu.memory_space<vmem>>
    tpu.wait_dma2 semaphore(%arg10 : memref<!tpu.dma_semaphore, #tpu.memory_space<semaphore_mem>>) src(%dma_wait3A_154 : memref<2x200x64xf32, #tpu.memory_space<vmem>>) dst(%dma_wait3A_149 : memref<2x200x64xf32, #tpu.memory_space<hbm>>)
    return
  }
}

</mosaic_0001>

<sc_bundles>
// kernel: kernel.3.cloned.1.call-start
scs
__scs_entry_jumppad:
0x0: {  	(pc) =	sbr.rel $0x88, $3  }
0x1: {  	(tag) =	ssettag $0x0;
	lr =	simm.s32 $0x1  }
0x2: {  	[smem:$0x3F9F] =	sst lr;
	_ =	strace $0xD0000000  }
0x3: {  	_ = 	snop  }
0x4: {  	_ = 	snop  }
0x5: {  	_ = 	snop  }
0x6: {  	_ = 	snop  }
0x7: {  	_ = 	snop  }
__scs_overlays_trampoline_lowered:
0x8: {  	[smem:$0x3FAE] =	sst s0  }
0x9: {  	[smem:$0x3FAF] =	sst s1  }
0xa: {  	[smem:$0x3FB0] =	sst s2  }
0xb: {  	[smem:$0x3FB1] =	sst s3  }
0xc: {  	[smem:$0x3FB2] =	sst s4  }
0xd: {  	[smem:$0x3FB3] =	sst s5  }
0xe: {  	[smem:$0x3FB4] =	sst s6  }
0xf: {  	[smem:$0x3FB5] =	sst s7  }
0x10: {  	[smem:$0x3FB6] =	sst s8  }
0x11: {  	[smem:$0x3FB7] =	sst s9;
	s0 =	simm.s32 @!p0 $0x0  }
0x12: {  	s1 =	sld [smem:$0x3F9D];
	s0 =	simm.s32 @p0 $0x1  }
0x13: {  	[smem:$0x3FB8] =	sst s0;
	s0 =	simm.s32 @!p1 $0x0  }
0x14: {  	s2 =	sld [smem:$0x3F9C];
	s0 =	simm.s32 @p1 $0x1  }
0x15: {  	[smem:$0x3FB9] =	sst s0;
	s0 =	simm.s32 @!p2 $0x0  }
0x16: {  	s3 =	sld [smem:$0x3FDB];
	s0 =	simm.s32 @p2 $0x1  }
0x17: {  	s4 =	simm.s32 $0x1BF5;
	[smem:$0x3FBB] =	sst s0  }
0x18: {  	s0 =	sld [smem:$0x3F9E];
	_ =	swait.ge [sflag:s4], $0x0  }
0x19: {  	s7 =	sld [smem:$0x3F9F]  }
0x1a: {  	s8 =	sadd.s32 $0xFFFFE003, lr  }
0x1b: {  	s9 =	sadd.s32 $0xFFFFFEF7, lr;
	s5 =	simm.s32 $0xFFFFFFFF;
	p2 =	slt.u32 s8, $0xFFFFF086  }
0x1c: {  	p1 =	slt.u32 s9, $0xF7A;
	s5 =	simm.s32 @!p2 $0x0  }
0x1d: {  	s5 =	simm.s32 @p1 $0x1;
	p0 =	seq.s32 s7, s2  }
0x1e: {  	s7 =	smul.u32 @!p0 $0xF7A, s2;
	p2 =	seq.s32 @!p0 s5, $0x0  }
0x1f: {  	s9 =	smul.u32 $0xF7A, s1;
	s8 =	simm.s32 @!p0 $0x1BF5;
	p2 =	por !p2, p0  }
0x20: {  	[sflag:s8] =	ssyncset.s32 @!p0 $0xFFFFF086;
	s6 =	sadd.s32 @!p0 s3, s7;
	s7 =	simm.s32 @!p0 $0x108  }
0x21: {  	s3 =	sadd.s32 s3, s9;
	s6 =	sadd.s32 @!p0 $0x88, s6;
	s7 =	simm.s32 @p2 $0x1082  }
0x22: {  	[simem:s7], [sflag:s8] =	dma.local @!p0 [hbm:s6], $0xF7A  }
0x23: {  	s9 =	sor.u32 $0xD0000000, s2;
	s6 =	simm.s32 $0x108;
	_ =	swait.ge @!p0 [sflag:s8], $0x0  }
0x24: {  	s3 =	sadd.s32 $0x88, s3;
	s6 =	simm.s32 @!p1 $0x1082;
	[sflag:s4] =	ssyncset.s32 $0xFFFFF086  }
0x25: {  	[simem:s6], [sflag:s4] =	dma.local [hbm:s3], $0xF7A  }
0x26: {  	[smem:$0x3F9F] =	sst s1;
	(tag) =	ssettag s2;
	_ =	strace s9  }
0x27: {  	s1 =	sld [smem:$0x3FAF]  }
0x28: {  	s2 =	sld [smem:$0x3FB0]  }
0x29: {  	s4 =	sld [smem:$0x3FB2]  }
0x2a: {  	p0 =	seq.s32 s5, $0x0;
	s5 =	sld [smem:$0x3FB3]  }
0x2b: {  	s6 =	sld [smem:$0x3FB4]  }
0x2c: {  	s7 =	sld [smem:$0x3FB5]  }
0x2d: {  	s3 =	simm.s32 $0x108;
	s8 =	sld [smem:$0x3FB6]  }
0x2e: {  	s3 =	simm.s32 @!p0 $0x1082;
	s9 =	sld [smem:$0x3FB7]  }
0x2f: {  	lr =	sadd.s32 s0, s3;
	s0 =	sld [smem:$0x3FAE]  }
0x30: {  	s3 =	sld [smem:$0x3FB1]  }
0x31: {  	[smem:$0x3FBA] =	sst s10  }
0x32: {  	s10 =	sld [smem:$0x3FB8];
	_ =	sdelay $0x3  }
0x33: {  	p0 =	seq.s32 s10, $0x1;
	s10 =	sld [smem:$0x3FBA];
	_ =	sdelay $0x3  }
0x34: {  	[smem:$0x3FBA] =	sst s10  }
0x35: {  	s10 =	sld [smem:$0x3FB9];
	_ =	sdelay $0x3  }
0x36: {  	p1 =	seq.s32 s10, $0x1;
	s10 =	sld [smem:$0x3FBA];
	_ =	sdelay $0x3  }
0x37: {  	[smem:$0x3FBA] =	sst s10  }
0x38: {  	s10 =	sld [smem:$0x3FBB]  }
0x39: {  	_ = 	snop;
	(pc) =	sbr.ind lr, $3  }
0x3a: {  	_ = 	snop  }
0x3b: {  	_ = 	snop  }
0x3c: {  	p2 =	seq.s32 s10, $0x1;
	s10 =	sld [smem:$0x3FBA]  }
0x3d: {  	_ =	shalt  }
0x3e: {  	_ =	shalt  }
0x3f: {  	_ =	shalt  }
0x40: {  	_ =	shalt  }
0x41: {  	_ =	shalt  }
0x42: {  	_ =	shalt  }
0x43: {  	_ =	shalt  }
0x44: {  	_ =	shalt  }
0x45: {  	_ =	shalt  }
0x46: {  	_ =	shalt  }
0x47: {  	_ =	shalt  }
0x48: {  	_ =	shalt  }
0x49: {  	_ =	shalt  }
0x4a: {  	_ =	shalt  }
0x4b: {  	_ =	shalt  }
0x4c: {  	_ =	shalt  }
0x4d: {  	_ =	shalt  }
0x4e: {  	_ =	shalt  }
0x4f: {  	_ =	shalt  }
0x50: {  	_ =	shalt  }
0x51: {  	_ =	shalt  }
0x52: {  	_ =	shalt  }
0x53: {  	_ =	shalt  }
0x54: {  	_ =	shalt  }
0x55: {  	_ =	shalt  }
0x56: {  	_ =	shalt  }
0x57: {  	_ =	shalt  }
0x58: {  	_ =	shalt  }
0x59: {  	_ =	shalt  }
0x5a: {  	_ =	shalt  }
0x5b: {  	_ =	shalt  }
0x5c: {  	_ =	shalt  }
0x5d: {  	_ =	shalt  }
0x5e: {  	_ =	shalt  }
0x5f: {  	_ =	shalt  }
0x60: {  	_ =	shalt  }
0x61: {  	_ =	shalt  }
0x62: {  	_ =	shalt  }
0x63: {  	_ =	shalt  }
0x64: {  	_ =	shalt  }
0x65: {  	_ =	shalt  }
0x66: {  	_ =	shalt  }
0x67: {  	_ =	shalt  }
0x68: {  	_ =	shalt  }
0x69: {  	_ =	shalt  }
0x6a: {  	_ =	shalt  }
0x6b: {  	_ =	shalt  }
0x6c: {  	_ =	shalt  }
0x6d: {  	_ =	shalt  }
0x6e: {  	_ =	shalt  }
0x6f: {  	_ =	shalt  }
0x70: {  	_ =	shalt  }
0x71: {  	_ =	shalt  }
0x72: {  	_ =	shalt  }
0x73: {  	_ =	shalt  }
0x74: {  	_ =	shalt  }
0x75: {  	_ =	shalt  }
0x76: {  	_ =	shalt  }
0x77: {  	_ =	shalt  }
0x78: {  	_ =	shalt  }
0x79: {  	_ =	shalt  }
0x7a: {  	_ =	shalt  }
0x7b: {  	_ =	shalt  }
0x7c: {  	_ =	shalt  }
0x7d: {  	_ =	shalt  }
0x7e: {  	_ =	shalt  }
0x7f: {  	_ =	shalt  }
0x80: {  	_ =	shalt  }
0x81: {  	_ =	shalt  }
0x82: {  	_ =	shalt  }
0x83: {  	_ =	shalt  }
0x84: {  	_ =	shalt  }
0x85: {  	_ =	shalt  }
0x86: {  	_ =	shalt  }
0x87: {  	_ =	shalt  }
.Lfunc_end0:
.L_simem_size_0:
called_computation.1_lowered:
.L_overlay_start_0:
0x88: {  	s2 =	sld [smem:$0x3FD9]  }
0x89: {  	s3 =	sld [smem:$0x3FFE];
	_ =	sdelay $0x1  }
0x8a: {  	s1 =	srdreg.scid  }
0x8b: {  	s0 =	sand.u32 $0x1, s1  }
0x8c: {  	s17 =	sshll.u32 s0, $0xA;
	s2 =	sadd.s32 s3, s2  }
0x8d: {  	s2 =	sadd.s32 s2, s17  }
0x8e: {  	[smem:$0x3FC6] =	sst s2  }
0x8f: {  	_ = 	snop  }
0x90: {  	s2 =	sld [smem:$0x3FD0];
	(tm) =	ssettm $0x1  }
0x91: {  	s18 =	sld [smem:$0x3FFB];
	_ =	sdelay $0x3  }
0x92: {  	_ =	strace s18  }
0x93: {  	s3 =	sld [smem:$0x3FFC];
	_ =	sdelay $0x3  }
0x94: {  	_ =	strace s3  }
0x95: {  	s3 =	sld [smem:$0x3FFD];
	_ =	sdelay $0x3  }
0x96: {  	_ =	strace s3  }
0x97: {  	_ =	strace $0x8FFFFFFF  }
0x98: {  	s19 =	sld [smem:$0x3FDB];
	_ =	sdelay $0x1  }
0x99: {  	s4 =	simm.s32 $_scs_section_size  }
0x9a: {  	s5 =	simm.s32 $_size__tile_overlayer_lowered;
	s6 =	simm.s32 $_tile_overlayer_lowered  }
0x9b: {  	s22 =	simm.s32 $0x1BFF;
	s21 =	sshll.u32 s6, $0x1;
	s3 =	sadd.s32 s4, s19  }
0x9c: {  	s7 =	simm.s32 $0x0;
	s20 =	sshll.u32 s5, $0x1;
	s5 =	sadd.s32 s21, s3  }
0x9d: {  	[timem:s7], [sflag:s22] =	dma.local [hbm:s5], s20  }
0x9e: {  	_ =	swait.ge [sflag:s22], s20  }
0x9f: {  	s4 =	ssub.s32 $0x0, s20;
	[sflag:s22] =	ssyncset.done $0x0  }
0xa0: {  	[sflag:s22] =	ssyncadd.s32 s4;
	_ =	sdelay $0x1  }
0xa1: {  	s23 =	simm.s32 $0x1B8B  }
0xa2: {  	_ =	swait.ge [sflag:s23], $0x1  }
0xa3: {  	[sflag:s23] =	ssyncset.done $0x0  }
0xa4: {  	s25 =	simm.s32 $0x1B8E;
	s24 =	sld [smem:$0x3FFE];
	[sflag:s23] =	ssyncadd.s32 $0xFFFFFFFF  }
0xa5: {  	s26 =	simm.s32 $execute0_lowered;
	[smem:$0x3FD2] =	sst s25  }
0xa6: {  	s5 =	sshll.u32 s26, $0x1;
	_ =	strace $0x80000046;
	[dreg:$0x1] =	wrdreg $0xFFFFFFFF  }
0xa7: {  	s28 =	simm.s32 $_size_execute0_lowered;
	s3 =	sadd.s32 s3, s5;
	[dreg:$0x0] =	wrdreg $0x0  }
0xa8: {  	s5 =	sshll.u32 s28, $0x1;
	[dreg:$0x2] =	wrdreg s3  }
0xa9: {  	[dreg:$0x3] =	wrdreg s5  }
0xaa: {  	[dreg:$0x4] =	wrdreg $0xC0  }
0xab: {  	_ =	task [dreg:s7], $0x5FFFF  }
0xac: {  	[dreg:$0x1] =	wrdreg $0xFFFFFFFF  }
0xad: {  	[dreg:$0x0] =	wrdreg $0x60  }
0xae: {  	[dreg:$0x2] =	wrdreg s24  }
0xaf: {  	[dreg:$0x3] =	wrdreg s2  }
0xb0: {  	[dreg:$0x4] =	wrdreg $0x9  }
0xb1: {  	_ =	task.clear_ibuf [dreg:s7], $0x5FFFF;
	_ =	strace $0x90000046  }
0xb2: {  	s29 =	simm.s32 $0x9;
	_ =	strace $0x80000048  }
0xb3: {  	_ =	swait.ge [sflag:s29], $0x1  }
0xb4: {  	[sflag:s29] =	ssyncadd.s32 $0xFFFFFFFF  }
0xb5: {  	_ =	strace $0x90000048  }
0xb6: {  	_ =	sfence  }
0xb7: {  	s30 =	sld [smem:$0x0];
	_ =	sdelay $0x2  }
0xb8: {  	s31 =	sshll.u32 s1, $0xD;
	s1 =	sshrl.u32 s1, $0x2  }
0xb9: {  	s3 =	sand.u32 $0x4000, s31;
	s1 =	sadd.s32 s1, s30  }
0xba: {  	s0 =	sor.u32 s3, s0;
	s1 =	sshll.u32 s1, $0x11  }
0xbb: {  	s0 =	sor.u32 s1, s0  }
0xbc: {  	s0 =	sadd.s32 $0x8F2B, s0  }
0xbd: {  	[sflag:s0] =	ssyncadd.remote.s32 $0x1  }
0xbe: {  	_ =	sfence.sel $0xFFFF  }
0xbf: {  	[dreg:$0x0] =	wrdreg $0xFFFFFFFF;
	(pc) =	sbr.abs _section_cstart, $3  }
0xc0: {  	[dreg:$0x1] =	wrdreg $0xFFFFFFFF  }
0xc1: {  	_ =	task.clear_ibuf [dreg:s7], $0x2FFFF;
	_ =	strace $0x9FFFFFFF  }
0xc2: {  	(tm) =	ssettm $0x7FFFFFFF  }
0xc3: {  	_ =	shalt  }
tec
execute0_lowered:
.L_overlay_start_1:
0x0: {  	(tag) =	ssettag $0x1  }
0x1: {  	s0 =	rddreg [dreg:$0x0]  }
0x2: {  	s2 =	rddreg [dreg:$0x1];
	s3 =	simm.s32 $0x0  }
0x3: {  	s1 =	srdreg.scid;
	s4 =	stileid.u32;
	s11 =	simm.s32 $0x5  }
0x4: {  	s12 =	simm.s32 $0x80;
	s13 =	simm.s32 $0x320;
	s14 =	simm.s32 $0x48  }
0x5: {  	s20 =	simm.s32 $0x190;
	s21 =	simm.s32 $0x6720;
	s22 =	simm.s32 $0x210  }
0x6: {  	s23 =	simm.s32 $0x8720;
	s24 =	simm.s32 $0x258;
	s28 =	simm.s32 $0xB920  }
0x7: {  	s29 =	simm.s32 $0x1;
	s30 =	simm.s32 $0x2;
	s31 =	simm.s32 $0x3  }
0x8: {  	[smem:$0x7FF] =	sst s3;
	s1 =	sand.u32 $0x1, s1;
	s4 =	sshll.u32 s4, $0x1  }
0x9: {  	s5 =	sadd.s32 $0xF42E00, s0;
	s6 =	sor.u32 s1, s4;
	s1 =	ssub.s32 $0x2, s1  }
0xa: {  	_ =	strace $0x80000047;
	s4 =	sadd.s32 $0xA00, s0;
	s25 =	sshrl.u32 s1, $0x1  }
0xb: {  	s7 =	smul.u32 $0xC80, s6;
	s6 =	sshll.u32 s6, $0x6;
	s0 =	ssub.s32 s1, s25  }
0xc: {  	s8 =	sor.u32 $0x2, s6;
	s10 =	sor.u32 $0x1, s6;
	s25 =	simm.s32 $0x9920  }
0xd: {  	s1 =	simm.s32 $0x0;
	s26 =	sadd.s32 s4, s7;
	s9 =	smax.u32 s0, $0x1  }
0xe: {  	s0 =	simm.s32 $0x4;
	[dreg:$0x3] =	wrdreg s26;
	s26 =	simm.s32 $0x2D8  }
.LBB2_1:
0xf: {  	s7 =	rddreg [dreg:$0x3]  }
0x10: {  	[tilespmem:s3], [sflag:$0x5] =	stream.linear.gather [hbm4b:s7+s3], $0x190, $0x38;
	[tilespmem:$0xCB20] =	vst v63  }
0x11: {  	_ =	swait.ge [sflag:s11], $0x190  }
0x12: {  	[sflag:s11] =	ssyncset.done $0x0  }
0x13: {  	[sflag:s11] =	ssyncadd.s32 $0xFFFFFE70  }
0x14: {  	[tilespmem:s13], [sflag:$0x1] =	stream.indirect.gather [hbm4b:s5+s12], $0x40, s3, s12, $0xb8;
	[tilespmem:$0xCB20] =	vst v63  }
0x15: {  	s16 =	simm.s32 $0x2320  }
0x16: {  	[tilespmem:s16], [sflag:$0x1] =	stream.indirect.gather [hbm4b:s5+s14], $0x40, s12, s14, $0xb8;
	[tilespmem:$0xCB20] =	vst v63  }
0x17: {  	s17 =	simm.s32 $0xC8;
	s15 =	simm.s32 $0x3520  }
0x18: {  	[tilespmem:s15], [sflag:$0x1] =	stream.indirect.gather [hbm4b:s5+s12], $0x40, s17, s12, $0xb8;
	[tilespmem:$0xCB20] =	vst v63  }
0x19: {  	s18 =	simm.s32 $0x148;
	s19 =	simm.s32 $0x5520;
	s15 =	simm.s32 $0x0  }
0x1a: {  	[tilespmem:s19], [sflag:$0x1] =	stream.indirect.gather [hbm4b:s5+s14], $0x40, s18, s14, $0xb8;
	[tilespmem:$0xCB20] =	vst v63  }
.LBB2_2:
0x1b: {  	s17 =	sshll.u32 s15, $0x1;
	p0 =	seq.s32 s15, $0x0  }
0x1c: {  	s7 =	simm.s32 @!p0 $0x4;
	s16 =	sor.u32 s10, s17  }
0x1d: {  	_ =	swait.ge @!p0 [sflag:s7], $0x6400;
	s18 =	smul.u32 $0x32, s16  }
0x1e: {  	[sflag:s7] =	ssyncset.done @!p0 $0x0  }
0x1f: {  	[sflag:s7] =	ssyncadd.s32 @!p0 $0xFFFF9C00;
	s19 =	sadd.s32 s4, s18  }
0x20: {  	[tilespmem:s20], [sflag:$0x5] =	stream.linear.gather [hbm4b:s19+s3], $0x190, $0x38;
	[tilespmem:$0xCB20] =	vst v63  }
0x21: {  	_ =	swait.ge [sflag:s11], $0x190  }
0x22: {  	[sflag:s11] =	ssyncset.done $0x0  }
0x23: {  	[sflag:s11] =	ssyncadd.s32 $0xFFFFFE70  }
0x24: {  	[tilespmem:s21], [sflag:$0x2] =	stream.indirect.gather [hbm4b:s5+s12], $0x40, s20, s12, $0xb8;
	[tilespmem:$0xCB20] =	vst v63  }
0x25: {  	_ = 	snop  }
0x26: {  	[tilespmem:s23], [sflag:$0x2] =	stream.indirect.gather [hbm4b:s5+s14], $0x40, s22, s14, $0xb8;
	[tilespmem:$0xCB20] =	vst v63  }
0x27: {  	_ = 	snop  }
0x28: {  	[tilespmem:s25], [sflag:$0x2] =	stream.indirect.gather [hbm4b:s5+s12], $0x40, s24, s12, $0xb8;
	[tilespmem:$0xCB20] =	vst v63  }
0x29: {  	_ = 	snop  }
0x2a: {  	[tilespmem:s28], [sflag:$0x2] =	stream.indirect.gather [hbm4b:s5+s14], $0x40, s26, s14, $0xb8;
	[tilespmem:$0xCB20] =	vst v63  }
0x2b: {  	_ =	swait.ge [sflag:s29], $0x2000  }
0x2c: {  	[sflag:s29] =	ssyncset.done $0x0  }
0x2d: {  	[sflag:s29] =	ssyncadd.s32 $0xFFFFE000  }
0x2e: {  	_ =	swait.ge [sflag:s29], $0x1200  }
0x2f: {  	[sflag:s29] =	ssyncset.done $0x0  }
0x30: {  	[sflag:s29] =	ssyncadd.s32 $0xFFFFEE00  }
0x31: {  	_ =	swait.ge [sflag:s29], $0x2000  }
0x32: {  	[sflag:s29] =	ssyncset.done $0x0  }
0x33: {  	[sflag:s29] =	ssyncadd.s32 $0xFFFFE000  }
0x34: {  	_ =	swait.ge [sflag:s29], $0x1200  }
0x35: {  	[sflag:s29] =	ssyncset.done $0x0  }
0x36: {  	s18 =	simm.s32 $0x3710;
	[sflag:s29] =	ssyncadd.s32 $0xFFFFEE00  }
0x37: {  	v0 =	vld [tilespmem:s18+$0x0]  }
0x38: {  	v1 =	vld [tilespmem:s18+$0xFFFFCC20]  }
0x39: {  	v2 =	vld [tilespmem:s18+$0xFFFFCC30]  }
0x3a: {  	v11 =	vld [tilespmem:s18+$0xFFFFCC80]  }
0x3b: {  	v8 =	vld [tilespmem:s18+$0xFFFFCC50]  }
0x3c: {  	v4 =	vld [tilespmem:s18+$0xFFFFFE10];
	v0 =	vmul.f32 $8.000000000e+00, v0  }
0x3d: {  	v3 =	vld [tilespmem:s18+$0xFFFFCC40];
	v1 =	vmul.f32 $8.000000000e+00, v1  }
0x3e: {  	v6 =	vld [tilespmem:s18+$0xFFFFFE30];
	v2 =	vmul.f32 $8.000000000e+00, v2;
	[tilespmem:s18+$0x0] =	vst v0  }
0x3f: {  	v5 =	vld [tilespmem:s18+$0xFFFFFE20];
	v60 =	vmul.f32 $8.000000000e+00, v11;
	[tilespmem:s18+$0xFFFFCC20] =	vst v1  }
0x40: {  	v9 =	vld [tilespmem:s18+$0xFFFFCC60];
	v0 =	vmul.f32 $8.000000000e+00, v8;
	[tilespmem:s18+$0xFFFFCC30] =	vst v2  }
0x41: {  	v1 =	vld [tilespmem:s18+$0xFFFFFE70];
	v2 =	vmul.f32 $8.000000000e+00, v4;
	[tilespmem:s18+$0xFFFFCC80] =	vst v60  }
0x42: {  	v7 =	vld [tilespmem:s18+$0xFFFFFE40];
	[tilespmem:s18+$0xFFFFCC50] =	vst v0;
	v0 =	vmul.f32 $8.000000000e+00, v3  }
0x43: {  	v4 =	vld [tilespmem:s18+$0xFFFFCC90];
	[tilespmem:s18+$0xFFFFFE10] =	vst v2;
	v2 =	vmul.f32 $8.000000000e+00, v6  }
0x44: {  	v3 =	vld [tilespmem:s18+$0xFFFFFE80];
	[tilespmem:s18+$0xFFFFCC40] =	vst v0;
	v0 =	vmul.f32 $8.000000000e+00, v5  }
0x45: {  	v12 =	vld [tilespmem:s18+$0xFFFFFE50];
	[tilespmem:s18+$0xFFFFFE30] =	vst v2;
	v2 =	vmul.f32 $8.000000000e+00, v9  }
0x46: {  	v10 =	vld [tilespmem:s18+$0xFFFFCC70];
	v1 =	vmul.f32 $8.000000000e+00, v1;
	[tilespmem:s18+$0xFFFFFE20] =	vst v0  }
0x47: {  	v6 =	vld [tilespmem:s18+$0xFFFFCCB0];
	v0 =	vmul.f32 $8.000000000e+00, v7;
	[tilespmem:s18+$0xFFFFCC60] =	vst v2  }
0x48: {  	v8 =	vld [tilespmem:s18+$0xFFFFFE60];
	v2 =	vmul.f32 $8.000000000e+00, v4;
	[tilespmem:s18+$0xFFFFFE70] =	vst v1  }
0x49: {  	v5 =	vld [tilespmem:s18+$0xFFFFCCA0];
	v3 =	vmul.f32 $8.000000000e+00, v3;
	[tilespmem:s18+$0xFFFFFE40] =	vst v0  }
0x4a: {  	v59 =	vld [tilespmem:s18+$0xFFFFFE90];
	[tilespmem:s18+$0xFFFFCC90] =	vst v2;
	v2 =	vmul.f32 $8.000000000e+00, v12  }
0x4b: {  	v7 =	vld [tilespmem:s18+$0xFFFFCCC0];
	v0 =	vmul.f32 $8.000000000e+00, v10;
	[tilespmem:s18+$0xFFFFFE80] =	vst v3  }
0x4c: {  	v3 =	vmul.f32 $8.000000000e+00, v6;
	[tilespmem:s18+$0xFFFFFE50] =	vst v2;
	v2 =	vld [tilespmem:s18+$0xFFFFCCD0]  }
0x4d: {  	v8 =	vmul.f32 $8.000000000e+00, v8;
	[tilespmem:s18+$0xFFFFCC70] =	vst v0;
	v0 =	vld [tilespmem:s18+$0xFFFFFEB0]  }
0x4e: {  	v1 =	vmul.f32 $8.000000000e+00, v5;
	[tilespmem:s18+$0xFFFFCCB0] =	vst v3;
	v3 =	vld [tilespmem:s18+$0xFFFFFEE0]  }
0x4f: {  	v9 =	vmul.f32 $8.000000000e+00, v59;
	v4 =	vld [tilespmem:s18+$0xFFFFFEA0];
	[tilespmem:s18+$0xFFFFFE60] =	vst v8  }
0x50: {  	v8 =	vld [tilespmem:s18+$0xFFFFCCE0];
	[tilespmem:s18+$0xFFFFCCA0] =	vst v1;
	v1 =	vmul.f32 $8.000000000e+00, v7  }
0x51: {  	v61 =	vld [tilespmem:s18+$0xFFFFFEC0];
	[tilespmem:s18+$0xFFFFFE90] =	vst v9;
	v2 =	vmul.f32 $8.000000000e+00, v2  }
0x52: {  	v6 =	vld [tilespmem:s18+$0xFFFFCD00];
	[tilespmem:s18+$0xFFFFCCC0] =	vst v1;
	v0 =	vmul.f32 $8.000000000e+00, v0  }
0x53: {  	v5 =	vld [tilespmem:s18+$0xFFFFCCF0];
	v3 =	vmul.f32 $8.000000000e+00, v3;
	[tilespmem:s18+$0xFFFFCCD0] =	vst v2  }
0x54: {  	v62 =	vld [tilespmem:s18+$0xFFFFCD10];
	v2 =	vmul.f32 $8.000000000e+00, v4;
	[tilespmem:s18+$0xFFFFFEB0] =	vst v0  }
0x55: {  	v7 =	vld [tilespmem:s18+$0xFFFFFED0];
	v0 =	vmul.f32 $8.000000000e+00, v8;
	[tilespmem:s18+$0xFFFFFEE0] =	vst v3  }
0x56: {  	v1 =	vld [tilespmem:s18+$0xFFFFFEF0];
	[tilespmem:s18+$0xFFFFFEA0] =	vst v2;
	v2 =	vmul.f32 $8.000000000e+00, v61  }
0x57: {  	v4 =	vld [tilespmem:s18+$0xFFFFFF00];
	[tilespmem:s18+$0xFFFFCCE0] =	vst v0;
	v0 =	vmul.f32 $8.000000000e+00, v6  }
0x58: {  	v8 =	vld [tilespmem:s18+$0xFFFFCD20];
	[tilespmem:s18+$0xFFFFFEC0] =	vst v2;
	v2 =	vmul.f32 $8.000000000e+00, v5  }
0x59: {  	v5 =	vld [tilespmem:s18+$0xFFFFCD30];
	[tilespmem:s18+$0xFFFFCD00] =	vst v0;
	v0 =	vmul.f32 $8.000000000e+00, v62  }
0x5a: {  	v6 =	vld [tilespmem:s18+$0xFFFFCD40];
	[tilespmem:s18+$0xFFFFCCF0] =	vst v2;
	v2 =	vmul.f32 $8.000000000e+00, v7  }
0x5b: {  	v7 =	vld [tilespmem:s18+$0xFFFFFF10];
	[tilespmem:s18+$0xFFFFCD10] =	vst v0;
	v0 =	vmul.f32 $8.000000000e+00, v1  }
0x5c: {  	v63 =	vld [tilespmem:s18+$0xFFFFFF20];
	v1 =	vmul.f32 $8.000000000e+00, v4;
	[tilespmem:s18+$0xFFFFFED0] =	vst v2  }
0x5d: {  	v4 =	vld [tilespmem:s18+$0xFFFFCD50];
	[tilespmem:s18+$0xFFFFFEF0] =	vst v0;
	v0 =	vmul.f32 $8.000000000e+00, v8  }
0x5e: {  	v2 =	vld [tilespmem:s18+$0xFFFFFF30];
	[tilespmem:s18+$0xFFFFFF00] =	vst v1;
	v1 =	vmul.f32 $8.000000000e+00, v5  }
0x5f: {  	v3 =	vld [tilespmem:s18+$0xFFFFFF40];
	[tilespmem:s18+$0xFFFFCD20] =	vst v0;
	v0 =	vmul.f32 $8.000000000e+00, v6  }
0x60: {  	v5 =	vld [tilespmem:s18+$0xFFFFCD60];
	[tilespmem:s18+$0xFFFFCD30] =	vst v1;
	v1 =	vmul.f32 $8.000000000e+00, v7  }
0x61: {  	v6 =	vld [tilespmem:s18+$0xFFFFCD70];
	[tilespmem:s18+$0xFFFFCD40] =	vst v0;
	v0 =	vmul.f32 $8.000000000e+00, v63  }
0x62: {  	v7 =	vld [tilespmem:s18+$0xFFFFCD80];
	[tilespmem:s18+$0xFFFFFF10] =	vst v1;
	v1 =	vmul.f32 $8.000000000e+00, v4  }
0x63: {  	v8 =	vld [tilespmem:s18+$0xFFFFFF50];
	v2 =	vmul.f32 $8.000000000e+00, v2;
	[tilespmem:s18+$0xFFFFFF20] =	vst v0  }
0x64: {  	v4 =	vld [tilespmem:s18+$0xFFFFFF60];
	[tilespmem:s18+$0xFFFFCD50] =	vst v1;
	v1 =	vmul.f32 $8.000000000e+00, v3  }
0x65: {  	v0 =	vld [tilespmem:s18+$0xFFFFFF70];
	[tilespmem:s18+$0xFFFFFF30] =	vst v2;
	v2 =	vmul.f32 $8.000000000e+00, v5  }
0x66: {  	v3 =	vld [tilespmem:s18+$0xFFFFFF80];
	[tilespmem:s18+$0xFFFFFF40] =	vst v1;
	v1 =	vmul.f32 $8.000000000e+00, v6  }
0x67: {  	v5 =	vld [tilespmem:s18+$0xFFFFCD90];
	[tilespmem:s18+$0xFFFFCD60] =	vst v2;
	v2 =	vmul.f32 $8.000000000e+00, v7  }
0x68: {  	v6 =	vld [tilespmem:s18+$0xFFFFCDA0];
	[tilespmem:s18+$0xFFFFCD70] =	vst v1;
	v1 =	vmul.f32 $8.000000000e+00, v8  }
0x69: {  	v7 =	vld [tilespmem:s18+$0xFFFFCDB0];
	[tilespmem:s18+$0xFFFFCD80] =	vst v2;
	v2 =	vmul.f32 $8.000000000e+00, v4  }
0x6a: {  	v4 =	vld [tilespmem:s18+$0xFFFFCDC0];
	v0 =	vmul.f32 $8.000000000e+00, v0;
	[tilespmem:s18+$0xFFFFFF50] =	vst v1  }
0x6b: {  	v3 =	vmul.f32 $8.000000000e+00, v3;
	v1 =	vld [tilespmem:s18+$0xFFFFFF90];
	[tilespmem:s18+$0xFFFFFF60] =	vst v2  }
0x6c: {  	v2 =	vmul.f32 $8.000000000e+00, v5;
	v5 =	vld [tilespmem:s18+$0xFFFFFFA0];
	[tilespmem:s18+$0xFFFFFF70] =	vst v0  }
0x6d: {  	v0 =	vld [tilespmem:s18+$0xFFFFFFB0];
	v6 =	vmul.f32 $8.000000000e+00, v6;
	[tilespmem:s18+$0xFFFFFF80] =	vst v3  }
0x6e: {  	v3 =	vld [tilespmem:s18+$0xFFFFFFC0];
	[tilespmem:s18+$0xFFFFCD90] =	vst v2;
	v2 =	vmul.f32 $8.000000000e+00, v7  }
0x6f: {  	[tilespmem:s18+$0xFFFFCDA0] =	vst v6;
	v4 =	vmul.f32 $8.000000000e+00, v4;
	v6 =	vld [tilespmem:s18+$0xFFFFCDD0]  }
0x70: {  	v7 =	vld [tilespmem:s18+$0xFFFFCDE0];
	[tilespmem:s18+$0xFFFFCDB0] =	vst v2;
	v1 =	vmul.f32 $8.000000000e+00, v1  }
0x71: {  	v8 =	vld [tilespmem:s18+$0xFFFFCDF0];
	[tilespmem:s18+$0xFFFFCDC0] =	vst v4;
	v2 =	vmul.f32 $8.000000000e+00, v5  }
0x72: {  	v4 =	vmul.f32 $8.000000000e+00, v0;
	v0 =	vld [tilespmem:s18+$0xFFFFCE00];
	[tilespmem:s18+$0xFFFFFF90] =	vst v1  }
0x73: {  	v3 =	vmul.f32 $8.000000000e+00, v3;
	[tilespmem:s18+$0xFFFFFFA0] =	vst v2;
	v1 =	vld [tilespmem:s18+$0xFFFFFFD0]  }
0x74: {  	[tilespmem:s18+$0xFFFFFFB0] =	vst v4;
	v2 =	vld [tilespmem:s18+$0xFFFFFFE0];
	v6 =	vmul.f32 $8.000000000e+00, v6  }
0x75: {  	v5 =	vmul.f32 $8.000000000e+00, v7;
	[tilespmem:s18+$0xFFFFFFC0] =	vst v3;
	v3 =	vld [tilespmem:s18+$0xFFFFFFF0]  }
0x76: {  	s7 =	simm.s32 $0x3910;
	s19 =	simm.s32 $0x0;
	v4 =	vld [tilespmem:s18+$0xFFFFCC10];
	[tilespmem:s18+$0xFFFFCDD0] =	vst v6;
	v6 =	vmul.f32 $8.000000000e+00, v8  }
.LBB2_3:
0x77: {  	v7 =	vld [tilespmem:s7+$0x0];
	s19 =	sadd.s32 $0x8, s19;
	[tilespmem:s18+$0xFFFFCDE0] =	vst v5;
	v0 =	vmul.f32 $8.000000000e+00, v0  }
0x78: {  	v5 =	vld [tilespmem:s7+$0xFFFFCC20];
	p0 =	slt.u32 s19, $0xC0;
	[tilespmem:s18+$0xFFFFCDF0] =	vst v6;
	v1 =	vmul.f32 $8.000000000e+00, v1  }
0x79: {  	v6 =	vld [tilespmem:s7+$0xFFFFCC30];
	[tilespmem:s18+$0xFFFFCE00] =	vst v0;
	v0 =	vmul.f32 $8.000000000e+00, v2  }
0x7a: {  	v2 =	vld [tilespmem:s7+$0xFFFFCC40];
	[tilespmem:s18+$0xFFFFFFD0] =	vst v1;
	v1 =	vmul.f32 $8.000000000e+00, v3  }
0x7b: {  	v3 =	vld [tilespmem:s7+$0xFFFFFE10];
	v4 =	vmul.f32 $8.000000000e+00, v4;
	[tilespmem:s18+$0xFFFFFFE0] =	vst v0  }
0x7c: {  	v0 =	vld [tilespmem:s7+$0xFFFFFE20];
	v7 =	vmul.f32 $8.000000000e+00, v7;
	[tilespmem:s18+$0xFFFFFFF0] =	vst v1  }
0x7d: {  	v1 =	vmul.f32 $8.000000000e+00, v5;
	v5 =	vld [tilespmem:s7+$0xFFFFFE30];
	[tilespmem:s18+$0xFFFFCC10] =	vst v4;
	s18 =	smov.u32 s7  }
0x7e: {  	v4 =	vmul.f32 $8.000000000e+00, v6;
	v6 =	vld [tilespmem:s7+$0xFFFFFE40];
	[tilespmem:s7+$0x0] =	vst v7  }
0x7f: {  	[tilespmem:s7+$0xFFFFCC20] =	vst v1;
	v1 =	vmul.f32 $8.000000000e+00, v2;
	v2 =	vld [tilespmem:s7+$0xFFFFCC50]  }
0x80: {  	[tilespmem:s7+$0xFFFFCC30] =	vst v4;
	v3 =	vmul.f32 $8.000000000e+00, v3;
	v4 =	vld [tilespmem:s7+$0xFFFFCC60]  }
0x81: {  	[tilespmem:s7+$0xFFFFCC40] =	vst v1;
	v0 =	vmul.f32 $8.000000000e+00, v0;
	v1 =	vld [tilespmem:s7+$0xFFFFCC70]  }
0x82: {  	[tilespmem:s7+$0xFFFFFE10] =	vst v3;
	v3 =	vmul.f32 $8.000000000e+00, v5;
	v5 =	vld [tilespmem:s7+$0xFFFFCC80]  }
0x83: {  	[tilespmem:s7+$0xFFFFFE20] =	vst v0;
	v0 =	vmul.f32 $8.000000000e+00, v6;
	v6 =	vld [tilespmem:s7+$0xFFFFFE50]  }
0x84: {  	[tilespmem:s7+$0xFFFFFE30] =	vst v3;
	v2 =	vmul.f32 $8.000000000e+00, v2;
	v3 =	vld [tilespmem:s7+$0xFFFFFE60]  }
0x85: {  	[tilespmem:s7+$0xFFFFFE40] =	vst v0;
	v0 =	vmul.f32 $8.000000000e+00, v4;
	v4 =	vld [tilespmem:s7+$0xFFFFFE70]  }
0x86: {  	[tilespmem:s7+$0xFFFFCC50] =	vst v2;
	v1 =	vmul.f32 $8.000000000e+00, v1;
	v2 =	vld [tilespmem:s7+$0xFFFFFE80]  }
0x87: {  	[tilespmem:s7+$0xFFFFCC60] =	vst v0;
	v0 =	vmul.f32 $8.000000000e+00, v5;
	v5 =	vld [tilespmem:s7+$0xFFFFCC90]  }
0x88: {  	[tilespmem:s7+$0xFFFFCC70] =	vst v1;
	v1 =	vmul.f32 $8.000000000e+00, v6;
	v6 =	vld [tilespmem:s7+$0xFFFFCCA0]  }
0x89: {  	[tilespmem:s7+$0xFFFFCC80] =	vst v0;
	v0 =	vmul.f32 $8.000000000e+00, v3;
	v3 =	vld [tilespmem:s7+$0xFFFFCCB0]  }
0x8a: {  	[tilespmem:s7+$0xFFFFFE50] =	vst v1;
	v1 =	vmul.f32 $8.000000000e+00, v4;
	v4 =	vld [tilespmem:s7+$0xFFFFCCC0]  }
0x8b: {  	[tilespmem:s7+$0xFFFFFE60] =	vst v0;
	v0 =	vmul.f32 $8.000000000e+00, v2;
	v2 =	vld [tilespmem:s7+$0xFFFFFE90]  }
0x8c: {  	[tilespmem:s7+$0xFFFFFE70] =	vst v1;
	v1 =	vmul.f32 $8.000000000e+00, v5;
	v5 =	vld [tilespmem:s7+$0xFFFFFEA0]  }
0x8d: {  	[tilespmem:s7+$0xFFFFFE80] =	vst v0;
	v0 =	vmul.f32 $8.000000000e+00, v6;
	v6 =	vld [tilespmem:s7+$0xFFFFFEB0]  }
0x8e: {  	[tilespmem:s7+$0xFFFFCC90] =	vst v1;
	v1 =	vmul.f32 $8.000000000e+00, v3;
	v3 =	vld [tilespmem:s7+$0xFFFFFEC0]  }
0x8f: {  	[tilespmem:s7+$0xFFFFCCA0] =	vst v0;
	v0 =	vmul.f32 $8.000000000e+00, v4;
	v4 =	vld [tilespmem:s7+$0xFFFFCCD0]  }
0x90: {  	[tilespmem:s7+$0xFFFFCCB0] =	vst v1;
	v1 =	vmul.f32 $8.000000000e+00, v2;
	v2 =	vld [tilespmem:s7+$0xFFFFCCE0]  }
0x91: {  	[tilespmem:s7+$0xFFFFCCC0] =	vst v0;
	v0 =	vmul.f32 $8.000000000e+00, v5;
	v5 =	vld [tilespmem:s7+$0xFFFFCCF0]  }
0x92: {  	[tilespmem:s7+$0xFFFFFE90] =	vst v1;
	v1 =	vmul.f32 $8.000000000e+00, v6;
	v6 =	vld [tilespmem:s7+$0xFFFFCD00]  }
0x93: {  	[tilespmem:s7+$0xFFFFFEA0] =	vst v0;
	v0 =	vmul.f32 $8.000000000e+00, v3;
	v3 =	vld [tilespmem:s7+$0xFFFFFED0]  }
0x94: {  	[tilespmem:s7+$0xFFFFFEB0] =	vst v1;
	v1 =	vmul.f32 $8.000000000e+00, v4;
	v4 =	vld [tilespmem:s7+$0xFFFFFEE0]  }
0x95: {  	[tilespmem:s7+$0xFFFFFEC0] =	vst v0;
	v0 =	vmul.f32 $8.000000000e+00, v2;
	v2 =	vld [tilespmem:s7+$0xFFFFFEF0]  }
0x96: {  	[tilespmem:s7+$0xFFFFCCD0] =	vst v1;
	v1 =	vmul.f32 $8.000000000e+00, v5;
	v5 =	vld [tilespmem:s7+$0xFFFFFF00]  }
0x97: {  	[tilespmem:s7+$0xFFFFCCE0] =	vst v0;
	v0 =	vmul.f32 $8.000000000e+00, v6;
	v6 =	vld [tilespmem:s7+$0xFFFFCD10]  }
0x98: {  	[tilespmem:s7+$0xFFFFCCF0] =	vst v1;
	v1 =	vmul.f32 $8.000000000e+00, v3;
	v3 =	vld [tilespmem:s7+$0xFFFFCD20]  }
0x99: {  	[tilespmem:s7+$0xFFFFCD00] =	vst v0;
	v0 =	vmul.f32 $8.000000000e+00, v4;
	v4 =	vld [tilespmem:s7+$0xFFFFCD30]  }
0x9a: {  	[tilespmem:s7+$0xFFFFFED0] =	vst v1;
	v1 =	vmul.f32 $8.000000000e+00, v2;
	v2 =	vld [tilespmem:s7+$0xFFFFCD40]  }
0x9b: {  	[tilespmem:s7+$0xFFFFFEE0] =	vst v0;
	v0 =	vmul.f32 $8.000000000e+00, v5;
	v5 =	vld [tilespmem:s7+$0xFFFFFF10]  }
0x9c: {  	[tilespmem:s7+$0xFFFFFEF0] =	vst v1;
	v1 =	vmul.f32 $8.000000000e+00, v6;
	v6 =	vld [tilespmem:s7+$0xFFFFFF20]  }
0x9d: {  	[tilespmem:s7+$0xFFFFFF00] =	vst v0;
	v0 =	vmul.f32 $8.000000000e+00, v3;
	v3 =	vld [tilespmem:s7+$0xFFFFFF30]  }
0x9e: {  	[tilespmem:s7+$0xFFFFCD10] =	vst v1;
	v1 =	vmul.f32 $8.000000000e+00, v4;
	v4 =	vld [tilespmem:s7+$0xFFFFFF40]  }
0x9f: {  	[tilespmem:s7+$0xFFFFCD20] =	vst v0;
	v0 =	vmul.f32 $8.000000000e+00, v2;
	v2 =	vld [tilespmem:s7+$0xFFFFCD50]  }
0xa0: {  	[tilespmem:s7+$0xFFFFCD30] =	vst v1;
	v1 =	vmul.f32 $8.000000000e+00, v5;
	v5 =	vld [tilespmem:s7+$0xFFFFCD60]  }
0xa1: {  	[tilespmem:s7+$0xFFFFCD40] =	vst v0;
	v0 =	vmul.f32 $8.000000000e+00, v6;
	v6 =	vld [tilespmem:s7+$0xFFFFCD70]  }
0xa2: {  	[tilespmem:s7+$0xFFFFFF10] =	vst v1;
	v1 =	vmul.f32 $8.000000000e+00, v3;
	v3 =	vld [tilespmem:s7+$0xFFFFCD80]  }
0xa3: {  	[tilespmem:s7+$0xFFFFFF20] =	vst v0;
	v0 =	vmul.f32 $8.000000000e+00, v4;
	v4 =	vld [tilespmem:s7+$0xFFFFFF50]  }
0xa4: {  	[tilespmem:s7+$0xFFFFFF30] =	vst v1;
	v1 =	vmul.f32 $8.000000000e+00, v2;
	v2 =	vld [tilespmem:s7+$0xFFFFFF60]  }
0xa5: {  	[tilespmem:s7+$0xFFFFFF40] =	vst v0;
	v0 =	vmul.f32 $8.000000000e+00, v5;
	v5 =	vld [tilespmem:s7+$0xFFFFFF70]  }
0xa6: {  	[tilespmem:s7+$0xFFFFCD50] =	vst v1;
	v1 =	vmul.f32 $8.000000000e+00, v6;
	v6 =	vld [tilespmem:s7+$0xFFFFFF80]  }
0xa7: {  	[tilespmem:s7+$0xFFFFCD60] =	vst v0;
	v0 =	vmul.f32 $8.000000000e+00, v3;
	v3 =	vld [tilespmem:s7+$0xFFFFCD90]  }
0xa8: {  	[tilespmem:s7+$0xFFFFCD70] =	vst v1;
	v1 =	vmul.f32 $8.000000000e+00, v4;
	v4 =	vld [tilespmem:s7+$0xFFFFCDA0]  }
0xa9: {  	[tilespmem:s7+$0xFFFFCD80] =	vst v0;
	v0 =	vmul.f32 $8.000000000e+00, v2;
	v2 =	vld [tilespmem:s7+$0xFFFFCDB0]  }
0xaa: {  	[tilespmem:s7+$0xFFFFFF50] =	vst v1;
	v1 =	vmul.f32 $8.000000000e+00, v5;
	v5 =	vld [tilespmem:s7+$0xFFFFCDC0]  }
0xab: {  	[tilespmem:s7+$0xFFFFFF60] =	vst v0;
	v0 =	vmul.f32 $8.000000000e+00, v6;
	v6 =	vld [tilespmem:s7+$0xFFFFFF90]  }
0xac: {  	[tilespmem:s7+$0xFFFFFF70] =	vst v1;
	v1 =	vmul.f32 $8.000000000e+00, v3;
	v3 =	vld [tilespmem:s7+$0xFFFFFFA0]  }
0xad: {  	[tilespmem:s7+$0xFFFFFF80] =	vst v0;
	v0 =	vmul.f32 $8.000000000e+00, v4;
	v4 =	vld [tilespmem:s7+$0xFFFFFFB0]  }
0xae: {  	[tilespmem:s7+$0xFFFFCD90] =	vst v1;
	v1 =	vmul.f32 $8.000000000e+00, v2;
	v2 =	vld [tilespmem:s7+$0xFFFFFFC0]  }
0xaf: {  	[tilespmem:s7+$0xFFFFCDA0] =	vst v0;
	v0 =	vmul.f32 $8.000000000e+00, v5;
	v5 =	vld [tilespmem:s7+$0xFFFFCDD0]  }
0xb0: {  	[tilespmem:s7+$0xFFFFCDB0] =	vst v1;
	v1 =	vmul.f32 $8.000000000e+00, v6;
	v6 =	vld [tilespmem:s7+$0xFFFFCDE0]  }
0xb1: {  	[tilespmem:s7+$0xFFFFCDC0] =	vst v0;
	v3 =	vmul.f32 $8.000000000e+00, v3;
	v7 =	vld [tilespmem:s7+$0xFFFFCDF0]  }
.Ltmp0:
0xb2: {  	[tilespmem:s7+$0xFFFFFF90] =	vst v1;
	v4 =	vmul.f32 $8.000000000e+00, v4;
	v0 =	vld [tilespmem:s7+$0xFFFFCE00];
	(pc) =	sbr.rel @p0 .LBB2_3-.Ltmp0, $4  }
0xb3: {  	[tilespmem:s7+$0xFFFFFFA0] =	vst v3;
	v3 =	vmul.f32 $8.000000000e+00, v2;
	v1 =	vld [tilespmem:s7+$0xFFFFFFD0]  }
0xb4: {  	[tilespmem:s7+$0xFFFFFFB0] =	vst v4;
	v8 =	vmul.f32 $8.000000000e+00, v5;
	v2 =	vld [tilespmem:s7+$0xFFFFFFE0]  }
0xb5: {  	[tilespmem:s7+$0xFFFFFFC0] =	vst v3;
	v5 =	vmul.f32 $8.000000000e+00, v6;
	v3 =	vld [tilespmem:s7+$0xFFFFFFF0]  }
0xb6: {  	s7 =	sadd.s32 $0x200, s7;
	v4 =	vld [tilespmem:s18+$0xFFFFCC10];
	[tilespmem:s18+$0xFFFFCDD0] =	vst v8;
	v6 =	vmul.f32 $8.000000000e+00, v7  }
0xb7: {  	[tilespmem:s18+$0xFFFFCDE0] =	vst v5;
	v0 =	vmul.f32 $8.000000000e+00, v0  }
0xb8: {  	[tilespmem:s18+$0xFFFFCDF0] =	vst v6;
	v1 =	vmul.f32 $8.000000000e+00, v1  }
0xb9: {  	[tilespmem:s18+$0xFFFFCE00] =	vst v0;
	v0 =	vmul.f32 $8.000000000e+00, v2  }
0xba: {  	s7 =	sadd.s32 s6, s17;
	[tilespmem:s18+$0xFFFFFFD0] =	vst v1;
	v1 =	vmul.f32 $8.000000000e+00, v3  }
0xbb: {  	s7 =	smul.u32 $0xC80, s7;
	v2 =	vmul.f32 $8.000000000e+00, v4;
	[tilespmem:s18+$0xFFFFFFE0] =	vst v0  }
0xbc: {  	[tilespmem:s18+$0xFFFFFFF0] =	vst v1  }
0xbd: {  	p0 =	seq.s32 s15, $0x1F;
	s7 =	sadd.s32 s2, s7;
	[tilespmem:s18+$0xFFFFCC10] =	vst v2  }
0xbe: {  	[hbm4b:s7+s3] =	stream.linear.scatter [tilespmem:s13], [sflag:$0x3], $0x6400, $0x38;
	[tilespmem:$0xCB20] =	vst v63  }
0xbf: {  	s17 =	sadd.s32 @!p0 s17, s8;
	s7 =	simm.s32 @!p0 $0x3  }
0xc0: {  	s17 =	smul.u32 @!p0 $0x32, s17;
	_ =	swait.ge @!p0 [sflag:s7], $0x6400  }
0xc1: {  	[sflag:s7] =	ssyncset.done @!p0 $0x0  }
0xc2: {  	[sflag:s7] =	ssyncadd.s32 @!p0 $0xFFFF9C00;
	s7 =	sadd.s32 @!p0 s4, s17;
	s17 =	simm.s32 @!p0 $0x0  }
0xc3: {  	[tilespmem:s17], [sflag:$0x5] =	stream.linear.gather @!p0 [hbm4b:s7+s17], $0x190, $0x38;
	[tilespmem:$0xCB20] =	vst v63  }
0xc4: {  	s7 =	simm.s32 @!p0 $0x5  }
0xc5: {  	_ =	swait.ge @!p0 [sflag:s7], $0x190  }
0xc6: {  	[sflag:s7] =	ssyncset.done @!p0 $0x0  }
0xc7: {  	s18 =	simm.s32 @!p0 $0x320;
	[sflag:s7] =	ssyncadd.s32 @!p0 $0xFFFFFE70;
	s7 =	simm.s32 @!p0 $0x80  }
0xc8: {  	[tilespmem:s18], [sflag:$0x1] =	stream.indirect.gather @!p0 [hbm4b:s5+s7], $0x40, s17, s7, $0xb8;
	[tilespmem:$0xCB20] =	vst v63  }
0xc9: {  	s17 =	simm.s32 @!p0 $0x48;
	s18 =	simm.s32 @!p0 $0x2320  }
0xca: {  	[tilespmem:s18], [sflag:$0x1] =	stream.indirect.gather @!p0 [hbm4b:s5+s17], $0x40, s7, s17, $0xb8;
	[tilespmem:$0xCB20] =	vst v63  }
0xcb: {  	s19 =	simm.s32 @!p0 $0x3520;
	s18 =	simm.s32 @!p0 $0xC8  }
0xcc: {  	[tilespmem:s19], [sflag:$0x1] =	stream.indirect.gather @!p0 [hbm4b:s5+s7], $0x40, s18, s7, $0xb8;
	[tilespmem:$0xCB20] =	vst v63  }
0xcd: {  	s7 =	simm.s32 @!p0 $0x148;
	s18 =	simm.s32 @!p0 $0x5520  }
0xce: {  	[tilespmem:s18], [sflag:$0x1] =	stream.indirect.gather @!p0 [hbm4b:s5+s17], $0x40, s7, s17, $0xb8;
	[tilespmem:$0xCB20] =	vst v63  }
0xcf: {  	_ =	swait.ge [sflag:s30], $0x2000  }
0xd0: {  	[sflag:s30] =	ssyncset.done $0x0  }
0xd1: {  	[sflag:s30] =	ssyncadd.s32 $0xFFFFE000  }
0xd2: {  	_ =	swait.ge [sflag:s30], $0x1200  }
0xd3: {  	[sflag:s30] =	ssyncset.done $0x0  }
0xd4: {  	[sflag:s30] =	ssyncadd.s32 $0xFFFFEE00  }
0xd5: {  	_ =	swait.ge [sflag:s30], $0x2000  }
0xd6: {  	[sflag:s30] =	ssyncset.done $0x0  }
0xd7: {  	[sflag:s30] =	ssyncadd.s32 $0xFFFFE000  }
0xd8: {  	_ =	swait.ge [sflag:s30], $0x1200  }
0xd9: {  	[sflag:s30] =	ssyncset.done $0x0  }
0xda: {  	s17 =	simm.s32 $0x6720;
	[sflag:s30] =	ssyncadd.s32 $0xFFFFEE00  }
0xdb: {  	v0 =	vld [tilespmem:s17+$0x33F0]  }
0xdc: {  	v1 =	vld [tilespmem:s17+$0x10]  }
0xdd: {  	v2 =	vld [tilespmem:s17+$0x20]  }
0xde: {  	v11 =	vld [tilespmem:s17+$0x70]  }
0xdf: {  	v8 =	vld [tilespmem:s17+$0x40]  }
0xe0: {  	v4 =	vld [tilespmem:s17+$0x3200];
	v0 =	vmul.f32 $8.000000000e+00, v0  }
0xe1: {  	v3 =	vld [tilespmem:s17+$0x30];
	v1 =	vmul.f32 $8.000000000e+00, v1  }
0xe2: {  	v6 =	vld [tilespmem:s17+$0x3220];
	v2 =	vmul.f32 $8.000000000e+00, v2;
	[tilespmem:s17+$0x33F0] =	vst v0  }
0xe3: {  	v5 =	vld [tilespmem:s17+$0x3210];
	v60 =	vmul.f32 $8.000000000e+00, v11;
	[tilespmem:s17+$0x10] =	vst v1  }
0xe4: {  	v9 =	vld [tilespmem:s17+$0x50];
	v0 =	vmul.f32 $8.000000000e+00, v8;
	[tilespmem:s17+$0x20] =	vst v2  }
0xe5: {  	v1 =	vld [tilespmem:s17+$0x3260];
	v2 =	vmul.f32 $8.000000000e+00, v4;
	[tilespmem:s17+$0x70] =	vst v60  }
0xe6: {  	v7 =	vld [tilespmem:s17+$0x3230];
	[tilespmem:s17+$0x40] =	vst v0;
	v0 =	vmul.f32 $8.000000000e+00, v3  }
0xe7: {  	v4 =	vld [tilespmem:s17+$0x80];
	[tilespmem:s17+$0x3200] =	vst v2;
	v2 =	vmul.f32 $8.000000000e+00, v6  }
0xe8: {  	v3 =	vld [tilespmem:s17+$0x3270];
	[tilespmem:s17+$0x30] =	vst v0;
	v0 =	vmul.f32 $8.000000000e+00, v5  }
0xe9: {  	v12 =	vld [tilespmem:s17+$0x3240];
	[tilespmem:s17+$0x3220] =	vst v2;
	v2 =	vmul.f32 $8.000000000e+00, v9  }
0xea: {  	v10 =	vld [tilespmem:s17+$0x60];
	v1 =	vmul.f32 $8.000000000e+00, v1;
	[tilespmem:s17+$0x3210] =	vst v0  }
0xeb: {  	v6 =	vld [tilespmem:s17+$0xA0];
	v0 =	vmul.f32 $8.000000000e+00, v7;
	[tilespmem:s17+$0x50] =	vst v2  }
0xec: {  	v8 =	vld [tilespmem:s17+$0x3250];
	v2 =	vmul.f32 $8.000000000e+00, v4;
	[tilespmem:s17+$0x3260] =	vst v1  }
0xed: {  	v5 =	vld [tilespmem:s17+$0x90];
	v3 =	vmul.f32 $8.000000000e+00, v3;
	[tilespmem:s17+$0x3230] =	vst v0  }
0xee: {  	v59 =	vld [tilespmem:s17+$0x3280];
	[tilespmem:s17+$0x80] =	vst v2;
	v2 =	vmul.f32 $8.000000000e+00, v12  }
0xef: {  	v7 =	vld [tilespmem:s17+$0xB0];
	v0 =	vmul.f32 $8.000000000e+00, v10;
	[tilespmem:s17+$0x3270] =	vst v3  }
0xf0: {  	v3 =	vmul.f32 $8.000000000e+00, v6;
	[tilespmem:s17+$0x3240] =	vst v2;
	v2 =	vld [tilespmem:s17+$0xC0]  }
0xf1: {  	v8 =	vmul.f32 $8.000000000e+00, v8;
	[tilespmem:s17+$0x60] =	vst v0;
	v0 =	vld [tilespmem:s17+$0x32A0]  }
0xf2: {  	v1 =	vmul.f32 $8.000000000e+00, v5;
	[tilespmem:s17+$0xA0] =	vst v3;
	v3 =	vld [tilespmem:s17+$0x32D0]  }
0xf3: {  	v9 =	vmul.f32 $8.000000000e+00, v59;
	v4 =	vld [tilespmem:s17+$0x3290];
	[tilespmem:s17+$0x3250] =	vst v8  }
0xf4: {  	v8 =	vld [tilespmem:s17+$0xD0];
	[tilespmem:s17+$0x90] =	vst v1;
	v1 =	vmul.f32 $8.000000000e+00, v7  }
0xf5: {  	v61 =	vld [tilespmem:s17+$0x32B0];
	[tilespmem:s17+$0x3280] =	vst v9;
	v2 =	vmul.f32 $8.000000000e+00, v2  }
0xf6: {  	v6 =	vld [tilespmem:s17+$0xF0];
	[tilespmem:s17+$0xB0] =	vst v1;
	v0 =	vmul.f32 $8.000000000e+00, v0  }
0xf7: {  	v5 =	vld [tilespmem:s17+$0xE0];
	v3 =	vmul.f32 $8.000000000e+00, v3;
	[tilespmem:s17+$0xC0] =	vst v2  }
0xf8: {  	v62 =	vld [tilespmem:s17+$0x100];
	v2 =	vmul.f32 $8.000000000e+00, v4;
	[tilespmem:s17+$0x32A0] =	vst v0  }
0xf9: {  	v7 =	vld [tilespmem:s17+$0x32C0];
	v0 =	vmul.f32 $8.000000000e+00, v8;
	[tilespmem:s17+$0x32D0] =	vst v3  }
0xfa: {  	v1 =	vld [tilespmem:s17+$0x32E0];
	[tilespmem:s17+$0x3290] =	vst v2;
	v2 =	vmul.f32 $8.000000000e+00, v61  }
0xfb: {  	v4 =	vld [tilespmem:s17+$0x32F0];
	[tilespmem:s17+$0xD0] =	vst v0;
	v0 =	vmul.f32 $8.000000000e+00, v6  }
0xfc: {  	v8 =	vld [tilespmem:s17+$0x110];
	[tilespmem:s17+$0x32B0] =	vst v2;
	v2 =	vmul.f32 $8.000000000e+00, v5  }
0xfd: {  	v5 =	vld [tilespmem:s17+$0x120];
	[tilespmem:s17+$0xF0] =	vst v0;
	v0 =	vmul.f32 $8.000000000e+00, v62  }
0xfe: {  	v6 =	vld [tilespmem:s17+$0x130];
	[tilespmem:s17+$0xE0] =	vst v2;
	v2 =	vmul.f32 $8.000000000e+00, v7  }
0xff: {  	v7 =	vld [tilespmem:s17+$0x3300];
	[tilespmem:s17+$0x100] =	vst v0;
	v0 =	vmul.f32 $8.000000000e+00, v1  }
0x100: {  	v63 =	vld [tilespmem:s17+$0x3310];
	v1 =	vmul.f32 $8.000000000e+00, v4;
	[tilespmem:s17+$0x32C0] =	vst v2  }
0x101: {  	v4 =	vld [tilespmem:s17+$0x140];
	[tilespmem:s17+$0x32E0] =	vst v0;
	v0 =	vmul.f32 $8.000000000e+00, v8  }
0x102: {  	v2 =	vld [tilespmem:s17+$0x3320];
	[tilespmem:s17+$0x32F0] =	vst v1;
	v1 =	vmul.f32 $8.000000000e+00, v5  }
0x103: {  	v3 =	vld [tilespmem:s17+$0x3330];
	[tilespmem:s17+$0x110] =	vst v0;
	v0 =	vmul.f32 $8.000000000e+00, v6  }
0x104: {  	v5 =	vld [tilespmem:s17+$0x150];
	[tilespmem:s17+$0x120] =	vst v1;
	v1 =	vmul.f32 $8.000000000e+00, v7  }
0x105: {  	v6 =	vld [tilespmem:s17+$0x160];
	[tilespmem:s17+$0x130] =	vst v0;
	v0 =	vmul.f32 $8.000000000e+00, v63  }
0x106: {  	v7 =	vld [tilespmem:s17+$0x170];
	[tilespmem:s17+$0x3300] =	vst v1;
	v1 =	vmul.f32 $8.000000000e+00, v4  }
0x107: {  	v8 =	vld [tilespmem:s17+$0x3340];
	v2 =	vmul.f32 $8.000000000e+00, v2;
	[tilespmem:s17+$0x3310] =	vst v0  }
0x108: {  	v4 =	vld [tilespmem:s17+$0x3350];
	[tilespmem:s17+$0x140] =	vst v1;
	v1 =	vmul.f32 $8.000000000e+00, v3  }
0x109: {  	v0 =	vld [tilespmem:s17+$0x3360];
	[tilespmem:s17+$0x3320] =	vst v2;
	v2 =	vmul.f32 $8.000000000e+00, v5  }
0x10a: {  	v3 =	vld [tilespmem:s17+$0x3370];
	[tilespmem:s17+$0x3330] =	vst v1;
	v1 =	vmul.f32 $8.000000000e+00, v6  }
0x10b: {  	v5 =	vld [tilespmem:s17+$0x180];
	[tilespmem:s17+$0x150] =	vst v2;
	v2 =	vmul.f32 $8.000000000e+00, v7  }
0x10c: {  	v6 =	vld [tilespmem:s17+$0x190];
	[tilespmem:s17+$0x160] =	vst v1;
	v1 =	vmul.f32 $8.000000000e+00, v8  }
0x10d: {  	v7 =	vld [tilespmem:s17+$0x1A0];
	[tilespmem:s17+$0x170] =	vst v2;
	v2 =	vmul.f32 $8.000000000e+00, v4  }
0x10e: {  	v4 =	vld [tilespmem:s17+$0x1B0];
	v0 =	vmul.f32 $8.000000000e+00, v0;
	[tilespmem:s17+$0x3340] =	vst v1  }
0x10f: {  	v3 =	vmul.f32 $8.000000000e+00, v3;
	v1 =	vld [tilespmem:s17+$0x3380];
	[tilespmem:s17+$0x3350] =	vst v2  }
0x110: {  	v2 =	vmul.f32 $8.000000000e+00, v5;
	v5 =	vld [tilespmem:s17+$0x3390];
	[tilespmem:s17+$0x3360] =	vst v0  }
0x111: {  	v0 =	vld [tilespmem:s17+$0x33A0];
	v6 =	vmul.f32 $8.000000000e+00, v6;
	[tilespmem:s17+$0x3370] =	vst v3  }
0x112: {  	v3 =	vld [tilespmem:s17+$0x33B0];
	[tilespmem:s17+$0x180] =	vst v2;
	v2 =	vmul.f32 $8.000000000e+00, v7  }
0x113: {  	[tilespmem:s17+$0x190] =	vst v6;
	v4 =	vmul.f32 $8.000000000e+00, v4;
	v6 =	vld [tilespmem:s17+$0x1C0]  }
0x114: {  	v7 =	vld [tilespmem:s17+$0x1D0];
	[tilespmem:s17+$0x1A0] =	vst v2;
	v1 =	vmul.f32 $8.000000000e+00, v1  }
0x115: {  	v8 =	vld [tilespmem:s17+$0x1E0];
	[tilespmem:s17+$0x1B0] =	vst v4;
	v2 =	vmul.f32 $8.000000000e+00, v5  }
0x116: {  	v4 =	vmul.f32 $8.000000000e+00, v0;
	v0 =	vld [tilespmem:s17+$0x1F0];
	[tilespmem:s17+$0x3380] =	vst v1  }
0x117: {  	v3 =	vmul.f32 $8.000000000e+00, v3;
	[tilespmem:s17+$0x3390] =	vst v2;
	v1 =	vld [tilespmem:s17+$0x33C0]  }
0x118: {  	[tilespmem:s17+$0x33A0] =	vst v4;
	v2 =	vld [tilespmem:s17+$0x33D0];
	v6 =	vmul.f32 $8.000000000e+00, v6  }
0x119: {  	v5 =	vmul.f32 $8.000000000e+00, v7;
	[tilespmem:s17+$0x33B0] =	vst v3;
	v3 =	vld [tilespmem:s17+$0x33E0]  }
0x11a: {  	s18 =	simm.s32 $0x0;
	s7 =	simm.s32 $0x6920;
	v4 =	vld [tilespmem:s17+$0x0];
	[tilespmem:s17+$0x1C0] =	vst v6;
	v6 =	vmul.f32 $8.000000000e+00, v8  }
.LBB2_5:
0x11b: {  	v7 =	vld [tilespmem:s7+$0x33F0];
	s18 =	sadd.s32 $0x8, s18;
	[tilespmem:s17+$0x1D0] =	vst v5;
	v0 =	vmul.f32 $8.000000000e+00, v0  }
0x11c: {  	v5 =	vld [tilespmem:s7+$0x10];
	p0 =	slt.u32 s18, $0xC0;
	[tilespmem:s17+$0x1E0] =	vst v6;
	v1 =	vmul.f32 $8.000000000e+00, v1  }
0x11d: {  	v6 =	vld [tilespmem:s7+$0x20];
	[tilespmem:s17+$0x1F0] =	vst v0;
	v0 =	vmul.f32 $8.000000000e+00, v2  }
0x11e: {  	v2 =	vld [tilespmem:s7+$0x30];
	[tilespmem:s17+$0x33C0] =	vst v1;
	v1 =	vmul.f32 $8.000000000e+00, v3  }
0x11f: {  	v3 =	vld [tilespmem:s7+$0x3200];
	v4 =	vmul.f32 $8.000000000e+00, v4;
	[tilespmem:s17+$0x33D0] =	vst v0  }
0x120: {  	v0 =	vld [tilespmem:s7+$0x3210];
	v7 =	vmul.f32 $8.000000000e+00, v7;
	[tilespmem:s17+$0x33E0] =	vst v1  }
0x121: {  	v1 =	vmul.f32 $8.000000000e+00, v5;
	v5 =	vld [tilespmem:s7+$0x3220];
	[tilespmem:s17+$0x0] =	vst v4;
	s17 =	smov.u32 s7  }
0x122: {  	v4 =	vmul.f32 $8.000000000e+00, v6;
	v6 =	vld [tilespmem:s7+$0x3230];
	[tilespmem:s7+$0x33F0] =	vst v7  }
0x123: {  	[tilespmem:s7+$0x10] =	vst v1;
	v1 =	vmul.f32 $8.000000000e+00, v2;
	v2 =	vld [tilespmem:s7+$0x40]  }
0x124: {  	[tilespmem:s7+$0x20] =	vst v4;
	v3 =	vmul.f32 $8.000000000e+00, v3;
	v4 =	vld [tilespmem:s7+$0x50]  }
0x125: {  	[tilespmem:s7+$0x30] =	vst v1;
	v0 =	vmul.f32 $8.000000000e+00, v0;
	v1 =	vld [tilespmem:s7+$0x60]  }
0x126: {  	[tilespmem:s7+$0x3200] =	vst v3;
	v3 =	vmul.f32 $8.000000000e+00, v5;
	v5 =	vld [tilespmem:s7+$0x70]  }
0x127: {  	[tilespmem:s7+$0x3210] =	vst v0;
	v0 =	vmul.f32 $8.000000000e+00, v6;
	v6 =	vld [tilespmem:s7+$0x3240]  }
0x128: {  	[tilespmem:s7+$0x3220] =	vst v3;
	v2 =	vmul.f32 $8.000000000e+00, v2;
	v3 =	vld [tilespmem:s7+$0x3250]  }
0x129: {  	[tilespmem:s7+$0x3230] =	vst v0;
	v0 =	vmul.f32 $8.000000000e+00, v4;
	v4 =	vld [tilespmem:s7+$0x3260]  }
0x12a: {  	[tilespmem:s7+$0x40] =	vst v2;
	v1 =	vmul.f32 $8.000000000e+00, v1;
	v2 =	vld [tilespmem:s7+$0x3270]  }
0x12b: {  	[tilespmem:s7+$0x50] =	vst v0;
	v0 =	vmul.f32 $8.000000000e+00, v5;
	v5 =	vld [tilespmem:s7+$0x80]  }
0x12c: {  	[tilespmem:s7+$0x60] =	vst v1;
	v1 =	vmul.f32 $8.000000000e+00, v6;
	v6 =	vld [tilespmem:s7+$0x90]  }
0x12d: {  	[tilespmem:s7+$0x70] =	vst v0;
	v0 =	vmul.f32 $8.000000000e+00, v3;
	v3 =	vld [tilespmem:s7+$0xA0]  }
0x12e: {  	[tilespmem:s7+$0x3240] =	vst v1;
	v1 =	vmul.f32 $8.000000000e+00, v4;
	v4 =	vld [tilespmem:s7+$0xB0]  }
0x12f: {  	[tilespmem:s7+$0x3250] =	vst v0;
	v0 =	vmul.f32 $8.000000000e+00, v2;
	v2 =	vld [tilespmem:s7+$0x3280]  }
0x130: {  	[tilespmem:s7+$0x3260] =	vst v1;
	v1 =	vmul.f32 $8.000000000e+00, v5;
	v5 =	vld [tilespmem:s7+$0x3290]  }
0x131: {  	[tilespmem:s7+$0x3270] =	vst v0;
	v0 =	vmul.f32 $8.000000000e+00, v6;
	v6 =	vld [tilespmem:s7+$0x32A0]  }
0x132: {  	[tilespmem:s7+$0x80] =	vst v1;
	v1 =	vmul.f32 $8.000000000e+00, v3;
	v3 =	vld [tilespmem:s7+$0x32B0]  }
0x133: {  	[tilespmem:s7+$0x90] =	vst v0;
	v0 =	vmul.f32 $8.000000000e+00, v4;
	v4 =	vld [tilespmem:s7+$0xC0]  }
0x134: {  	[tilespmem:s7+$0xA0] =	vst v1;
	v1 =	vmul.f32 $8.000000000e+00, v2;
	v2 =	vld [tilespmem:s7+$0xD0]  }
0x135: {  	[tilespmem:s7+$0xB0] =	vst v0;
	v0 =	vmul.f32 $8.000000000e+00, v5;
	v5 =	vld [tilespmem:s7+$0xE0]  }
0x136: {  	[tilespmem:s7+$0x3280] =	vst v1;
	v1 =	vmul.f32 $8.000000000e+00, v6;
	v6 =	vld [tilespmem:s7+$0xF0]  }
0x137: {  	[tilespmem:s7+$0x3290] =	vst v0;
	v0 =	vmul.f32 $8.000000000e+00, v3;
	v3 =	vld [tilespmem:s7+$0x32C0]  }
0x138: {  	[tilespmem:s7+$0x32A0] =	vst v1;
	v1 =	vmul.f32 $8.000000000e+00, v4;
	v4 =	vld [tilespmem:s7+$0x32D0]  }
0x139: {  	[tilespmem:s7+$0x32B0] =	vst v0;
	v0 =	vmul.f32 $8.000000000e+00, v2;
	v2 =	vld [tilespmem:s7+$0x32E0]  }
0x13a: {  	[tilespmem:s7+$0xC0] =	vst v1;
	v1 =	vmul.f32 $8.000000000e+00, v5;
	v5 =	vld [tilespmem:s7+$0x32F0]  }
0x13b: {  	[tilespmem:s7+$0xD0] =	vst v0;
	v0 =	vmul.f32 $8.000000000e+00, v6;
	v6 =	vld [tilespmem:s7+$0x100]  }
0x13c: {  	[tilespmem:s7+$0xE0] =	vst v1;
	v1 =	vmul.f32 $8.000000000e+00, v3;
	v3 =	vld [tilespmem:s7+$0x110]  }
0x13d: {  	[tilespmem:s7+$0xF0] =	vst v0;
	v0 =	vmul.f32 $8.000000000e+00, v4;
	v4 =	vld [tilespmem:s7+$0x120]  }
0x13e: {  	[tilespmem:s7+$0x32C0] =	vst v1;
	v1 =	vmul.f32 $8.000000000e+00, v2;
	v2 =	vld [tilespmem:s7+$0x130]  }
0x13f: {  	[tilespmem:s7+$0x32D0] =	vst v0;
	v0 =	vmul.f32 $8.000000000e+00, v5;
	v5 =	vld [tilespmem:s7+$0x3300]  }
0x140: {  	[tilespmem:s7+$0x32E0] =	vst v1;
	v1 =	vmul.f32 $8.000000000e+00, v6;
	v6 =	vld [tilespmem:s7+$0x3310]  }
0x141: {  	[tilespmem:s7+$0x32F0] =	vst v0;
	v0 =	vmul.f32 $8.000000000e+00, v3;
	v3 =	vld [tilespmem:s7+$0x3320]  }
0x142: {  	[tilespmem:s7+$0x100] =	vst v1;
	v1 =	vmul.f32 $8.000000000e+00, v4;
	v4 =	vld [tilespmem:s7+$0x3330]  }
0x143: {  	[tilespmem:s7+$0x110] =	vst v0;
	v0 =	vmul.f32 $8.000000000e+00, v2;
	v2 =	vld [tilespmem:s7+$0x140]  }
0x144: {  	[tilespmem:s7+$0x120] =	vst v1;
	v1 =	vmul.f32 $8.000000000e+00, v5;
	v5 =	vld [tilespmem:s7+$0x150]  }
0x145: {  	[tilespmem:s7+$0x130] =	vst v0;
	v0 =	vmul.f32 $8.000000000e+00, v6;
	v6 =	vld [tilespmem:s7+$0x160]  }
0x146: {  	[tilespmem:s7+$0x3300] =	vst v1;
	v1 =	vmul.f32 $8.000000000e+00, v3;
	v3 =	vld [tilespmem:s7+$0x170]  }
0x147: {  	[tilespmem:s7+$0x3310] =	vst v0;
	v0 =	vmul.f32 $8.000000000e+00, v4;
	v4 =	vld [tilespmem:s7+$0x3340]  }
0x148: {  	[tilespmem:s7+$0x3320] =	vst v1;
	v1 =	vmul.f32 $8.000000000e+00, v2;
	v2 =	vld [tilespmem:s7+$0x3350]  }
0x149: {  	[tilespmem:s7+$0x3330] =	vst v0;
	v0 =	vmul.f32 $8.000000000e+00, v5;
	v5 =	vld [tilespmem:s7+$0x3360]  }
0x14a: {  	[tilespmem:s7+$0x140] =	vst v1;
	v1 =	vmul.f32 $8.000000000e+00, v6;
	v6 =	vld [tilespmem:s7+$0x3370]  }
0x14b: {  	[tilespmem:s7+$0x150] =	vst v0;
	v0 =	vmul.f32 $8.000000000e+00, v3;
	v3 =	vld [tilespmem:s7+$0x180]  }
0x14c: {  	[tilespmem:s7+$0x160] =	vst v1;
	v1 =	vmul.f32 $8.000000000e+00, v4;
	v4 =	vld [tilespmem:s7+$0x190]  }
0x14d: {  	[tilespmem:s7+$0x170] =	vst v0;
	v0 =	vmul.f32 $8.000000000e+00, v2;
	v2 =	vld [tilespmem:s7+$0x1A0]  }
0x14e: {  	[tilespmem:s7+$0x3340] =	vst v1;
	v1 =	vmul.f32 $8.000000000e+00, v5;
	v5 =	vld [tilespmem:s7+$0x1B0]  }
0x14f: {  	[tilespmem:s7+$0x3350] =	vst v0;
	v0 =	vmul.f32 $8.000000000e+00, v6;
	v6 =	vld [tilespmem:s7+$0x3380]  }
0x150: {  	[tilespmem:s7+$0x3360] =	vst v1;
	v1 =	vmul.f32 $8.000000000e+00, v3;
	v3 =	vld [tilespmem:s7+$0x3390]  }
0x151: {  	[tilespmem:s7+$0x3370] =	vst v0;
	v0 =	vmul.f32 $8.000000000e+00, v4;
	v4 =	vld [tilespmem:s7+$0x33A0]  }
0x152: {  	[tilespmem:s7+$0x180] =	vst v1;
	v1 =	vmul.f32 $8.000000000e+00, v2;
	v2 =	vld [tilespmem:s7+$0x33B0]  }
0x153: {  	[tilespmem:s7+$0x190] =	vst v0;
	v0 =	vmul.f32 $8.000000000e+00, v5;
	v5 =	vld [tilespmem:s7+$0x1C0]  }
0x154: {  	[tilespmem:s7+$0x1A0] =	vst v1;
	v1 =	vmul.f32 $8.000000000e+00, v6;
	v6 =	vld [tilespmem:s7+$0x1D0]  }
0x155: {  	[tilespmem:s7+$0x1B0] =	vst v0;
	v3 =	vmul.f32 $8.000000000e+00, v3;
	v7 =	vld [tilespmem:s7+$0x1E0]  }
.Ltmp1:
0x156: {  	[tilespmem:s7+$0x3380] =	vst v1;
	v4 =	vmul.f32 $8.000000000e+00, v4;
	v0 =	vld [tilespmem:s7+$0x1F0];
	(pc) =	sbr.rel @p0 .LBB2_5-.Ltmp1, $4  }
0x157: {  	[tilespmem:s7+$0x3390] =	vst v3;
	v3 =	vmul.f32 $8.000000000e+00, v2;
	v1 =	vld [tilespmem:s7+$0x33C0]  }
0x158: {  	[tilespmem:s7+$0x33A0] =	vst v4;
	v8 =	vmul.f32 $8.000000000e+00, v5;
	v2 =	vld [tilespmem:s7+$0x33D0]  }
0x159: {  	[tilespmem:s7+$0x33B0] =	vst v3;
	v5 =	vmul.f32 $8.000000000e+00, v6;
	v3 =	vld [tilespmem:s7+$0x33E0]  }
0x15a: {  	s7 =	sadd.s32 $0x200, s7;
	v4 =	vld [tilespmem:s17+$0x0];
	[tilespmem:s17+$0x1C0] =	vst v8;
	v6 =	vmul.f32 $8.000000000e+00, v7  }
0x15b: {  	[tilespmem:s17+$0x1D0] =	vst v5;
	v0 =	vmul.f32 $8.000000000e+00, v0  }
0x15c: {  	s15 =	sadd.s32 $0x1, s15;
	[tilespmem:s17+$0x1E0] =	vst v6;
	v1 =	vmul.f32 $8.000000000e+00, v1  }
0x15d: {  	p0 =	sne.s32 s15, $0x20;
	[tilespmem:s17+$0x1F0] =	vst v0;
	v61 =	vmul.f32 $8.000000000e+00, v2  }
.Ltmp2:
0x15e: {  	[tilespmem:s17+$0x33C0] =	vst v1;
	v62 =	vmul.f32 $8.000000000e+00, v3;
	(pc) =	sbr.rel @p0 .LBB2_2-.Ltmp2, $4  }
0x15f: {  	s7 =	smul.u32 $0xC80, s16;
	v63 =	vmul.f32 $8.000000000e+00, v4;
	[tilespmem:s17+$0x33D0] =	vst v61  }
0x160: {  	[tilespmem:s17+$0x33E0] =	vst v62  }
0x161: {  	s7 =	sadd.s32 s2, s7;
	[tilespmem:s17+$0x0] =	vst v63  }
0x162: {  	[hbm4b:s7+s3] =	stream.linear.scatter [tilespmem:s21], [sflag:$0x4], $0x6400, $0x38;
	[tilespmem:$0xCB20] =	vst v63  }
0x163: {  	s1 =	sadd.s32 $0x1, s1  }
0x164: {  	_ =	swait.ge [sflag:s31], $0x6400;
	p0 =	sne.s32 s1, s9  }
.Ltmp3:
0x165: {  	[sflag:s31] =	ssyncset.done $0x0;
	(pc) =	sbr.rel @p0 .LBB2_1-.Ltmp3, $4  }
0x166: {  	[sflag:s31] =	ssyncadd.s32 $0xFFFF9C00  }
0x167: {  	_ =	swait.ge [sflag:s0], $0x6400  }
0x168: {  	[sflag:s0] =	ssyncset.done $0x0  }
0x169: {  	[sflag:s0] =	ssyncadd.s32 $0xFFFF9C00  }
0x16a: {  	_ =	sfence.sel $0x180000  }
0x16b: {  	[bflag:$0x0] =	sbarrier.arrive $0xFFFF  }
0x16c: {  	_ =	strace $0x90000047  }
0x16d: {  	s0 =	stileid.u32;
	[bflag:$0x2] =	sbarrier.arrive $0xFFFF  }
0x16e: {  	p0 =	sne.s32 s0, $0x0;
	s0 =	rddreg [dreg:$0x2]  }
0x16f: {  	s0 =	sadd.s32 @!p0 $0x100000, s0  }
0x170: {  	[sflag:s0] =	ssyncadd.tile.s32 @!p0 $0x1;
	_ =	shalt  }
.Lfunc_end2:
_tile_overlayer_lowered:
.L_overlay_start_2:
0x171: {  	(tag) =	ssettag $0x2  }
0x172: {  	s0 =	rddreg [dreg:$0x0];
	s2 =	stileid.u32  }
0x173: {  	s1 =	rddreg [dreg:$0x1];
	p0 =	sne.s32 s2, $0x0  }
0x174: {  	s3 =	rddreg [dreg:$0x2];
	[bflag:$0x3] =	sbarrier.arrive $0xFFFF;
	s2 =	simm.s32 @!p0 $0x1C05  }
0x175: {  	[timem:s3], [sflag:s2] =	dma.local @!p0 [hbm:s0], s1  }
0x176: {  	s0 =	simm.s32 @!p0 $0x5  }
0x177: {  	_ =	swait.ge @!p0 [sflag:s0], s1  }
0x178: {  	s1 =	ssub.s32 @!p0 $0x0, s1;
	[sflag:s0] =	ssyncset.done @!p0 $0x0  }
0x179: {  	[sflag:s0] =	ssyncadd.s32 @!p0 s1  }
0x17a: {  	[bflag:$0x3] =	sbarrier.arrive $0xFFFF  }
0x17b: {  	_ =	shalt  }

// kernel: sparse-core-data-format-call.cloned.1.call-start
scs
called_computation_lowered:
.L_overlay_start_0:
0x0: {  	s2 =	sld [smem:$0x3FD9]  }
0x1: {  	s3 =	sld [smem:$0x3FFE];
	_ =	sdelay $0x1  }
0x2: {  	s1 =	srdreg.scid  }
0x3: {  	s0 =	sand.u32 $0x1, s1  }
0x4: {  	s18 =	sshll.u32 s0, $0xA;
	s2 =	sadd.s32 s3, s2  }
0x5: {  	s2 =	sadd.s32 s2, s18  }
0x6: {  	[smem:$0x3FC6] =	sst s2  }
0x7: {  	_ = 	snop  }
0x8: {  	s2 =	sld [smem:$0x3FD0];
	(tm) =	ssettm $0x1  }
0x9: {  	s19 =	sld [smem:$0x3FFB];
	_ =	sdelay $0x3  }
0xa: {  	_ =	strace s19  }
0xb: {  	s3 =	sld [smem:$0x3FFC];
	_ =	sdelay $0x3  }
0xc: {  	_ =	strace s3  }
0xd: {  	s3 =	sld [smem:$0x3FFD];
	_ =	sdelay $0x3  }
0xe: {  	_ =	strace s3  }
0xf: {  	_ =	strace $0x8FFFFFFF  }
0x10: {  	s20 =	sld [smem:$0x3FDB];
	_ =	sdelay $0x1  }
0x11: {  	s4 =	simm.s32 $_scs_section_size  }
0x12: {  	s5 =	simm.s32 $_size__tile_overlayer_lowered;
	s6 =	simm.s32 $_tile_overlayer_lowered  }
0x13: {  	s23 =	simm.s32 $0x1BFF;
	s22 =	sshll.u32 s6, $0x1;
	s3 =	sadd.s32 s4, s20  }
0x14: {  	s7 =	simm.s32 $0x0;
	s21 =	sshll.u32 s5, $0x1;
	s5 =	sadd.s32 s22, s3  }
0x15: {  	[timem:s7], [sflag:s23] =	dma.local [hbm:s5], s21  }
0x16: {  	_ =	swait.ge [sflag:s23], s21  }
0x17: {  	s4 =	ssub.s32 $0x0, s21;
	[sflag:s23] =	ssyncset.done $0x0  }
0x18: {  	[sflag:s23] =	ssyncadd.s32 s4;
	_ =	sdelay $0x1  }
0x19: {  	s24 =	simm.s32 $0x1B8B  }
0x1a: {  	_ =	swait.ge [sflag:s24], $0x1  }
0x1b: {  	[sflag:s24] =	ssyncset.done $0x0  }
0x1c: {  	s26 =	simm.s32 $0x1B8E;
	s25 =	sld [smem:$0x3FFE];
	[sflag:s24] =	ssyncadd.s32 $0xFFFFFFFF  }
0x1d: {  	s27 =	simm.s32 $execute0_lowered;
	[smem:$0x3FD2] =	sst s26  }
0x1e: {  	s5 =	sshll.u32 s27, $0x1;
	_ =	strace $0x80000049;
	[dreg:$0x1] =	wrdreg $0xFFFFFFFF  }
0x1f: {  	s28 =	simm.s32 $_size_execute0_lowered;
	s3 =	sadd.s32 s3, s5;
	[dreg:$0x0] =	wrdreg $0x0  }
0x20: {  	s5 =	sshll.u32 s28, $0x1;
	[dreg:$0x2] =	wrdreg s3  }
0x21: {  	[dreg:$0x3] =	wrdreg s5  }
0x22: {  	[dreg:$0x4] =	wrdreg $0xC0  }
0x23: {  	_ =	task [dreg:s7], $0x5FFFF  }
0x24: {  	[dreg:$0x1] =	wrdreg $0xFFFFFFFF  }
0x25: {  	[dreg:$0x0] =	wrdreg $0x60  }
0x26: {  	[dreg:$0x2] =	wrdreg s25  }
0x27: {  	[dreg:$0x3] =	wrdreg s2  }
0x28: {  	[dreg:$0x4] =	wrdreg $0x9  }
0x29: {  	_ =	task.clear_ibuf [dreg:s7], $0x5FFFF;
	_ =	strace $0x90000049  }
0x2a: {  	s29 =	simm.s32 $0x9;
	_ =	strace $0x8000004B  }
0x2b: {  	_ =	swait.ge [sflag:s29], $0x1  }
0x2c: {  	[sflag:s29] =	ssyncadd.s32 $0xFFFFFFFF  }
0x2d: {  	_ =	strace $0x9000004B  }
0x2e: {  	_ =	sfence  }
0x2f: {  	s30 =	sld [smem:$0x0];
	_ =	sdelay $0x2  }
0x30: {  	s31 =	sshll.u32 s1, $0xD;
	s1 =	sshrl.u32 s1, $0x2  }
0x31: {  	s3 =	sand.u32 $0x4000, s31;
	s1 =	sadd.s32 s1, s30  }
0x32: {  	s0 =	sor.u32 s3, s0;
	s1 =	sshll.u32 s1, $0x11  }
0x33: {  	s0 =	sor.u32 s1, s0  }
0x34: {  	s0 =	sadd.s32 $0x8F2B, s0  }
0x35: {  	[sflag:s0] =	ssyncadd.remote.s32 $0x1  }
0x36: {  	_ =	sfence.sel $0xFFFF  }
0x37: {  	[dreg:$0x0] =	wrdreg $0xFFFFFFFF;
	(pc) =	sbr.abs _section_cstart, $3  }
0x38: {  	[dreg:$0x1] =	wrdreg $0xFFFFFFFF  }
0x39: {  	_ =	task.clear_ibuf [dreg:s7], $0x2FFFF;
	_ =	strace $0x9FFFFFFF  }
0x3a: {  	(tm) =	ssettm $0x7FFFFFFF  }
0x3b: {  	_ =	shalt  }
tec
execute0_lowered:
.L_overlay_start_1:
0x0: {  	(tag) =	ssettag $0x1  }
0x1: {  	s0 =	srdreg.scid  }
0x2: {  	s1 =	sshll.u32 s0, $0x4  }
0x3: {  	s0 =	stileid.u32;
	s1 =	sand.u32 $0x10, s1  }
0x4: {  	s1 =	sor.u32 s0, s1  }
0x5: {  	s6 =	rddreg [dreg:$0x0];
	s4 =	simm.s32 $0x1;
	s2 =	sshll.u32 s1, $0x7  }
0x6: {  	s7 =	simm.s32 $0x2;
	s12 =	simm.s32 $0x0;
	s1 =	ssub.s32 $0x1000, s2  }
0x7: {  	s8 =	simm.s32 $0x8000;
	s13 =	simm.s32 $0x0;
	s3 =	sand.u32 $0xF80, s1  }
0x8: {  	s9 =	simm.s32 $0x0;
	s5 =	sshrl.u32 s1, $0xC;
	p0 =	sne.s32 s3, $0x0  }
.Ltmp0:
0x9: {  	s1 =	rddreg [dreg:$0x2];
	s4 =	simm.s32 @!p0 $0x0;
	(pc) =	sbr.rel .LBB1_1-.Ltmp0, $4  }
0xa: {  	s11 =	simm.s32 $0x0;
	s3 =	rddreg [dreg:$0x1];
	s5 =	sadd.s32 s4, s5  }
0xb: {  	_ =	strace $0x8000004A;
	s4 =	simm.s32 $0x1;
	s5 =	smul.u32 $0xC8, s5  }
0xc: {  	s6 =	sadd.s32 $0xA00, s6;
	s10 =	smov.u32 s2;
	[sflag:s4] =	ssyncpa.u1 $0x0  }
0xd: {  	p0 =	por $0x0, $0x0;
	[sflag:s7] =	ssyncpa.u1 $0x0;
	s7 =	sor.u32 $0x1, s5  }
.LBB1_4:
0xe: {  	s16 =	sshll.u32 s13, $0x3;
	s17 =	sand.u32 $0x78, s13  }
0xf: {  	s30 =	sand.u32 $0x7E00, s13;
	s12 =	sshll.u32 s12, $0xF;
	s16 =	sand.u32 $0xC00, s16  }
0x10: {  	[tilespmem:s15+$0x810 ss:$0x81] =	vst.msk $0xffff, v2;
	s31 =	sand.u32 $0x7, s13;
	s16 =	sor.u32 s17, s16;
	s17 =	sadd.s32 s3, s30  }
0x11: {  	[tilespmem:s15+$0x1020 ss:$0x81] =	vst.msk $0xffff, v0;
	s13 =	sshll.u32 s31, $0x12;
	s12 =	sadd.s32 s12, s17;
	s16 =	sshrl.u32 s16, $0x3  }
0x12: {  	[tilespmem:s15+$0x0 ss:$0x81] =	vst.msk $0xffff, v1;
	s13 =	sor.u32 $0x400, s13;
	s12 =	sadd.s32 s16, s12  }
0x13: {  	[hbm4b:s12+s13] =	stream.strided.scatter [tilespmem:s14], [sflag:$0x2], $0x2000, s8, s13, $0x20;
	[tilespmem:$0x8080] =	vst v63  }
.LBB1_5:
0x14: {  	s14 =	sadd.s32 $0x1, s9  }
0x15: {  	s12 =	sadd.s32 $0x1000, s10;
	s16 =	smov.u32 s10;
	p2 =	sgt.s32 s14, $0xC7  }
0x16: {  	s16 =	smov.u32 @p2 s12  }
0x17: {  	s14 =	simm.s32 @p2 $0x0;
	p2 =	sgt.s32 s16, $0xFFF  }
0x18: {  	s16 =	smov.u32 @p2 s2;
	p2 =	sne.s32 s11, s7  }
.Ltmp1:
0x19: {  	p1 =	slt.u32 s11, $0x2;
	(pc) =	sbr.rel @!p2 .LBB1_6-.Ltmp1, $4  }
0x1a: {  	s15 =	simm.s32 @!p1 $0x2  }
0x1b: {  	s13 =	smov.u32 s10;
	p0 =	por !p0, !p0;
	_ =	swait.ge @!p1 [sflag:s15], $0x2000  }
0x1c: {  	s12 =	smov.u32 s9;
	[sflag:s15] =	ssyncset.done @!p1 $0x0;
	s9 =	smov.u32 s14  }
0x1d: {  	s11 =	sadd.s32 $0x1, s11;
	[sflag:s15] =	ssyncadd.s32 @!p1 $0xFFFFE000;
	s10 =	smov.u32 s16  }
.LBB1_1:
0x1e: {  	p1 =	sge.u32 s11, s5  }
0x1f: {  	s14 =	sand.u32 @!p1 $0x1FFFFFF, s9  }
0x20: {  	s15 =	smulhi.u32 @!p1 $0x147AE15, s14;
	_ =	sdelay $0x1  }
0x21: {  	s15 =	smul.u32 @!p1 $0xC8, s15  }
0x22: {  	s16 =	sxor.u32 @!p1 $0xFFFFFFFF, s11;
	s17 =	smul.u32 @!p1 $0xC80, s10  }
0x23: {  	s31 =	sadd.s32 $0xFFFFFFFF, s11;
	s16 =	sshll.u32 @!p1 s16, $0xD;
	s14 =	ssub.s32 @!p1 s14, s15  }
0x24: {  	s15 =	sand.u32 @!p1 $0x2000, s16;
	s16 =	sadd.s32 @!p1 s6, s17;
	s14 =	sshll.u32 @!p1 s14, $0x4  }
0x25: {  	s17 =	simm.s32 @!p1 $0x6400;
	s14 =	sadd.s32 @!p1 s14, s16;
	s16 =	simm.s32 @!p1 $0x40  }
0x26: {  	[tilespmem:s15], [sflag:$0x1] =	stream.strided.gather @!p1 [hbm4b:s14+s16], $0x2000, s17, s16, $0x38;
	[tilespmem:$0x8080] =	vst v63  }
0x27: {  	p1 =	sge.u32 s31, s5  }
.Ltmp2:
0x28: {  	_ = 	snop;
	(pc) =	sbr.rel @p1 .LBB1_5-.Ltmp2, $1  }
0x29: {  	_ =	sdelay $0x3  }
0x2a: {  	s14 =	simm.s32 $0x1  }
0x2b: {  	_ =	swait.ge [sflag:s4], $0x2000;
	s14 =	simm.s32 @!p0 $0x0  }
0x2c: {  	[sflag:s4] =	ssyncset.done $0x0;
	s15 =	sshll.u32 s14, $0xD  }
0x2d: {  	[sflag:s4] =	ssyncadd.s32 $0xFFFFE000;
	s18 =	sor.u32 $0x20, s15  }
0x2e: {  	s14 =	smul.u32 $0x8100, s14;
	v3 =	vld [tilespmem:s18+$0x10]  }
0x2f: {  	s30 =	sand.u32 $0x1, s11;
	v2 =	vld [tilespmem:s18+$0xFFFFFFF0]  }
0x30: {  	s15 =	smul.u32 $0x8100, s30;
	s14 =	sshrl.u32 s14, $0x2;
	v0 =	vld [tilespmem:s18+$0x0]  }
0x31: {  	v1 =	vld [tilespmem:s18+$0xFFFFFFE0];
	s16 =	sor.u32 $0x4000, s14  }
0x32: {  	s31 =	sshrl.u32 s15, $0x2;
	s15 =	sadd.s32 $0x0, s16  }
0x33: {  	s17 =	simm.s32 $0x4;
	s18 =	sadd.s32 $0x40, s18;
	s14 =	sor.u32 $0x4000, s31;
	[tilespmem:s15+$0x1830 ss:$0x81] =	vst.msk $0xffff, v3  }
.LBB1_3:
0x34: {  	v3 =	vld [tilespmem:s18+$0x10];
	p1 =	sne.s32 s17, $0x1FC;
	[tilespmem:s15+$0x810 ss:$0x81] =	vst.msk $0xffff, v2;
	s19 =	smov.u32 s17;
	s17 =	sadd.s32 $0x4, s17  }
.Ltmp3:
0x35: {  	v2 =	vld [tilespmem:s18+$0xFFFFFFF0];
	[tilespmem:s15+$0x1020 ss:$0x81] =	vst.msk $0xffff, v0;
	(pc) =	sbr.rel @p1 .LBB1_3-.Ltmp3, $4  }
0x36: {  	v0 =	vld [tilespmem:s18+$0x0];
	[tilespmem:s15+$0x0 ss:$0x81] =	vst.msk $0xffff, v1  }
0x37: {  	s15 =	sshra.s32 s19, $0x2;
	v1 =	vld [tilespmem:s18+$0xFFFFFFE0]  }
0x38: {  	s15 =	sadd.s32 s15, s16  }
0x39: {  	s18 =	sadd.s32 $0x40, s18;
	[tilespmem:s15+$0x1830 ss:$0x81] =	vst.msk $0xffff, v3  }
.Ltmp4:
0x3a: {  	_ = 	snop;
	(pc) =	sbr.rel .LBB1_4-.Ltmp4, $1  }
0x3b: {  	_ =	sdelay $0x3  }
.LBB1_6:
0x3c: {  	_ =	sfence.sel $0x180000  }
0x3d: {  	s2 =	simm.s32 $0x1;
	[bflag:$0x0] =	sbarrier.arrive $0xFFFF  }
0x3e: {  	s31 =	simm.s32 $0x2;
	[sflag:s2] =	ssyncpa.u1 $0x1  }
0x3f: {  	[sflag:s31] =	ssyncpa.u1 $0x1  }
0x40: {  	p0 =	sne.s32 s0, $0x0;
	_ =	strace $0x9000004A  }
0x41: {  	s0 =	sadd.s32 @!p0 $0x100000, s1;
	[bflag:$0x2] =	sbarrier.arrive $0xFFFF  }
0x42: {  	[sflag:s0] =	ssyncadd.tile.s32 @!p0 $0x1;
	_ =	shalt  }
.Lfunc_end1:
_tile_overlayer_lowered:
.L_overlay_start_2:
0x43: {  	(tag) =	ssettag $0x2  }
0x44: {  	s0 =	rddreg [dreg:$0x0];
	s2 =	stileid.u32  }
0x45: {  	s1 =	rddreg [dreg:$0x1];
	p0 =	sne.s32 s2, $0x0  }
0x46: {  	s3 =	rddreg [dreg:$0x2];
	[bflag:$0x3] =	sbarrier.arrive $0xFFFF;
	s2 =	simm.s32 @!p0 $0x1C01  }
0x47: {  	[timem:s3], [sflag:s2] =	dma.local @!p0 [hbm:s0], s1  }
0x48: {  	s0 =	simm.s32 @!p0 $0x1  }
0x49: {  	_ =	swait.ge @!p0 [sflag:s0], s1  }
0x4a: {  	s1 =	ssub.s32 @!p0 $0x0, s1;
	[sflag:s0] =	ssyncset.done @!p0 $0x0  }
0x4b: {  	[sflag:s0] =	ssyncadd.s32 @!p0 s1  }
0x4c: {  	[bflag:$0x3] =	sbarrier.arrive $0xFFFF  }
0x4d: {  	_ =	shalt  }

</sc_bundles>
